<compile_context>
chip_gen: v7x
topology: tpu7x:2x2x1
jax: 0.10.2.dev20260603
libtpu: 0.0.44.dev20260713+nightly
codegen_flags: <defaults>
</compile_context>

<pallas_src>
import functools

import jax
import jax.numpy as jnp
from jax import lax
from jax.experimental import pallas as pl
from jax.experimental.pallas import tpu as pltpu
from jax.experimental.pallas import tpu_sc as plsc

M = 100000
D = 128
B = 16384
NC, NS = 2, 16
NW = NC * NS
BPW = B // NW
SUB = 128
NSUB = BPW // SUB
ROWS2D = B // SUB
RPW = ROWS2D // NW
DEDUP_WID = NW - 1
DCH = 32

@functools.lru_cache(maxsize=None)
def _get_mesh():
  return plsc.VectorSubcoreMesh(core_axis_name="c", subcore_axis_name="s",
                                num_cores=NC, num_subcores=NS)


def _phase1_body(mem_hbm, idx_hbm, h_hbm, w_hbm, idx_v, rows_v, didx_v, dw_v,
                 pos_v, sem):
  wid = lax.axis_index("s") * NC + lax.axis_index("c")
  rbase = wid * RPW

  pltpu.sync_copy(idx_hbm.at[pl.ds(rbase, RPW)], idx_v)
  for j in range(NSUB):
    pltpu.async_copy(mem_hbm.at[idx_v.at[j]], rows_v, sem).wait()
    pltpu.sync_copy(rows_v, h_hbm.at[pl.ds(wid * BPW + j * SUB, SUB)])

  @pl.when(wid == DEDUP_WID)
  def _dedup():
    iota16 = lax.iota(jnp.int32, 16)
    VPC = DCH * SUB // 16

    def pass1_chunk(c, carry):
      pltpu.sync_copy(idx_hbm.at[pl.ds(c * DCH, DCH)], didx_v)

      def vec_body(v, carry2):
        r = v // 8
        lane0 = (v % 8) * 16
        k = didx_v[r, pl.ds(lane0, 16)]
        b = iota16 + (c * (DCH * SUB) + v * 16)
        _, last = plsc.scan_count(k)
        plsc.store_scatter(pos_v, [k], b)
        plsc.store_scatter(pos_v, [k], b, mask=last)
        return carry2

      return lax.fori_loop(0, VPC, vec_body, carry, unroll=8)

    lax.fori_loop(0, ROWS2D // DCH, pass1_chunk, 0)

    def pass2_chunk(c, carry):
      pltpu.sync_copy(idx_hbm.at[pl.ds(c * DCH, DCH)], didx_v)

      def vec_body(v, carry2):
        r = v // 8
        lane0 = (v % 8) * 16
        k = didx_v[r, pl.ds(lane0, 16)]
        dw_v[r, pl.ds(lane0, 16)] = plsc.load_gather(pos_v, [k])
        return carry2

      lax.fori_loop(0, VPC, vec_body, carry, unroll=8)
      pltpu.sync_copy(dw_v, w_hbm.at[pl.ds(c * DCH, DCH)])
      return carry

    lax.fori_loop(0, ROWS2D // DCH, pass2_chunk, 0)


@functools.lru_cache(maxsize=None)
def _phase1():
  return pl.kernel(
      _phase1_body,
      out_type=(
          jax.ShapeDtypeStruct((B, D), jnp.float32),
          jax.ShapeDtypeStruct((ROWS2D, SUB), jnp.int32),
      ),
      mesh=_get_mesh(),
      compiler_params=pltpu.CompilerParams(needs_layout_passes=False),
      scratch_types=[
          pltpu.VMEM((RPW, SUB), jnp.int32),
          pltpu.VMEM((SUB, D), jnp.float32),
          pltpu.VMEM((DCH, SUB), jnp.int32),
          pltpu.VMEM((DCH, SUB), jnp.int32),
          pltpu.VMEM((M,), jnp.int32),
          pltpu.SemaphoreType.DMA,
      ],
  )


def _gru_body(val_ref, h_ref, wih_ref, whh_ref, bih_ref, bhh_ref, out_ref):
  x = val_ref[...]
  h = h_ref[...]
  dn = (((1,), (1,)), ((), ()))
  gi = lax.dot_general(x, wih_ref[...], dn,
                       preferred_element_type=jnp.float32) + bih_ref[...]
  gh = lax.dot_general(h, whh_ref[...], dn,
                       preferred_element_type=jnp.float32) + bhh_ref[...]
  r = jax.nn.sigmoid(gi[:, :D] + gh[:, :D])
  z = jax.nn.sigmoid(gi[:, D:2 * D] + gh[:, D:2 * D])
  n = jnp.tanh(gi[:, 2 * D:] + r * gh[:, 2 * D:])
  out_ref[...] = (1.0 - z) * n + z * h


_GRU_BLK = 2048


def _gru(val, h, W_ih, W_hh, b_ih, b_hh):
  grid = (B // _GRU_BLK,)
  return pl.pallas_call(
      _gru_body,
      grid=grid,
      in_specs=[
          pl.BlockSpec((_GRU_BLK, D), lambda i: (i, 0)),
          pl.BlockSpec((_GRU_BLK, D), lambda i: (i, 0)),
          pl.BlockSpec((3 * D, D), lambda i: (0, 0)),
          pl.BlockSpec((3 * D, D), lambda i: (0, 0)),
          pl.BlockSpec((1, 3 * D), lambda i: (0, 0)),
          pl.BlockSpec((1, 3 * D), lambda i: (0, 0)),
      ],
      out_specs=pl.BlockSpec((_GRU_BLK, D), lambda i: (i, 0)),
      out_shape=jax.ShapeDtypeStruct((B, D), jnp.float32),
  )(val, h, W_ih, W_hh, b_ih, b_hh)


def _phase3_body(hnew_hbm, idx_hbm, w_hbm, out_hbm, idx_v, w_v, rows_v, sem):
  wid = lax.axis_index("s") * NC + lax.axis_index("c")
  rbase = wid * RPW
  pltpu.sync_copy(idx_hbm.at[pl.ds(rbase, RPW)], idx_v)
  pltpu.sync_copy(w_hbm.at[pl.ds(rbase, RPW)], w_v)
  for j in range(NSUB):
    pltpu.async_copy(hnew_hbm.at[w_v.at[j]], rows_v, sem).wait()
    pltpu.sync_copy(rows_v, out_hbm.at[idx_v.at[j]])


@functools.lru_cache(maxsize=None)
def _phase3():
  return pl.kernel(
      _phase3_body,
      out_type=(),
      mesh=_get_mesh(),
      scratch_types=[
          pltpu.VMEM((RPW, SUB), jnp.int32),
          pltpu.VMEM((RPW, SUB), jnp.int32),
          pltpu.VMEM((SUB, D), jnp.float32),
          pltpu.SemaphoreType.DMA,
      ],
  )


def kernel(mem, idx, val, W_ih, W_hh, b_ih, b_hh):
  idx2d = idx.astype(jnp.int32).reshape(ROWS2D, SUB)
  h, w2d = _phase1()(mem, idx2d)
  h_new = _gru(val, h, W_ih, W_hh, b_ih.reshape(1, 3 * D),
               b_hh.reshape(1, 3 * D))
  out_ref = jax.new_ref(mem)
  _phase3()(h_new, idx2d, w2d, out_ref)
  return out_ref[...]

# --- scband reference (transcript-rebuilt; emitter-appended) ---
"""Pipeline reference for scband-nat-335007450094 (READ-ONLY COPY).

The authoritative reference and input builder live on the scoring server;
editing this copy changes nothing except your own understanding.
"""

import jax, jax.numpy as jnp
import numpy as np

M = 100000
D = 128
IN = 128
B = 16384


def setup_inputs(seed: int = 0) -> dict:
    key = jax.random.key(seed)
    ks = jax.random.split(key, 8)
    mem = jax.random.normal(ks[0], (M, D), dtype=jnp.float32)
    idx = jax.random.randint(ks[1], (B,), 0, M)
    val = jax.random.normal(ks[2], (B, IN), dtype=jnp.float32)
    s = 1.0 / np.sqrt(D)
    W_ih = jax.random.uniform(ks[3], (3 * D, IN), minval=-s, maxval=s, dtype=jnp.float32)
    W_hh = jax.random.uniform(ks[4], (3 * D, D), minval=-s, maxval=s, dtype=jnp.float32)
    b_ih = jax.random.uniform(ks[5], (3 * D,), minval=-s, maxval=s, dtype=jnp.float32)
    b_hh = jax.random.uniform(ks[6], (3 * D,), minval=-s, maxval=s, dtype=jnp.float32)
    return {"mem": mem, "idx": idx, "val": val, "W_ih": W_ih, "W_hh": W_hh, "b_ih": b_ih, "b_hh": b_hh}


def _gru_cell(x, h, W_ih, W_hh, b_ih, b_hh):
    # Faithful torch.nn.GRUCell math
    gi = x @ W_ih.T + b_ih
    gh = h @ W_hh.T + b_hh
    i_r, i_z, i_n = jnp.split(gi, 3, axis=-1)
    h_r, h_z, h_n = jnp.split(gh, 3, axis=-1)
    r = jax.nn.sigmoid(i_r + h_r)
    z = jax.nn.sigmoid(i_z + h_z)
    n = jnp.tanh(i_n + r * h_n)
    return (1.0 - z) * n + z * h


def reference(mem, idx, val, W_ih, W_hh, b_ih, b_hh):
    # NAT neighborhood/self-rep memory update:
    # gather hidden states for touched nodes, run FeatureEncoderGRU
    # (GRUCell, eval mode so dropout is a no-op), scatter-overwrite back.
    h = jnp.take(mem, idx, axis=0)
    h_new = _gru_cell(val, h, W_ih, W_hh, b_ih, b_hh)
    mem_out = mem.at[idx].set(h_new)
    return mem_out

if __name__ == "__main__":
    import jax
    _d = setup_inputs()
    print(jax.jit(kernel)(*tuple(_d.values())))

</pallas_src>

<mosaic_0001>
#map = affine_map<(d0, d1) -> (0, 0)>
module attributes {stable_mosaic.version = 14 : i64} {
  func.func @new_body(%arg0: i32, %arg1: i32, %arg2: memref<16384x128xf32, #tpu.memory_space<hbm>>, %arg3: memref<128x128xi32, #tpu.memory_space<hbm>>, %arg4: memref<128x128xi32, #tpu.memory_space<hbm>>, %arg5: memref<100000x128xf32, #tpu.memory_space<hbm>>, %arg6: memref<100000x128xf32, #tpu.memory_space<hbm>>, %arg7: memref<4x128xi32, #tpu.memory_space<vmem>>, %arg8: memref<4x128xi32, #tpu.memory_space<vmem>>, %arg9: memref<128x128xf32, #tpu.memory_space<vmem>>, %arg10: memref<!tpu.dma_semaphore, #tpu.memory_space<semaphore_mem>>) attributes {dimension_semantics = [#tpu.dimension_semantics<core_parallel>, #tpu.dimension_semantics<subcore_parallel>], iteration_bounds = array<i64: 2, 16>, scalar_prefetch = 0 : i64, scratch_operands = 4 : i64, tpu.core_type = #tpu.core_type<sc_vector_subcore>, window_params = [{transform_indices = #map}, {transform_indices = #map}, {transform_indices = #map}, {transform_indices = #map}, {transform_indices = #map}]} {
    %mul3A = arith.constant 2 : i32
    %mul3A_0 = arith.muli %arg1, %mul3A : i32
    %add3A = arith.addi %mul3A_0, %arg0 : i32
    %mul3A_1 = arith.constant 4 : i32
    %mul3A_2 = arith.muli %add3A, %mul3A_1 : i32
    "tpu.region"() ({
      %run_scoped3A_60 = tpu.sem_alloc : memref<!tpu.dma_semaphore, #tpu.memory_space<semaphore_mem>>
      %dma_start3A_61 = arith.constant 0 : i32
      %dma_start3A_62 = tpu.memref_slice %arg3[%mul3A_2, %dma_start3A_61] : memref<128x128xi32, #tpu.memory_space<hbm>> -> memref<4x128xi32, #tpu.memory_space<hbm>>
      %dma_start3A_63 = arith.constant 0 : i32
      %dma_start3A_64 = tpu.memref_slice %arg3[%mul3A_2, %dma_start3A_63] : memref<128x128xi32, #tpu.memory_space<hbm>> -> memref<4x128xi32, #tpu.memory_space<hbm>>
      tpu.enqueue_dma source(%dma_start3A_64 : memref<4x128xi32, #tpu.memory_space<hbm>>) target(%arg7 : memref<4x128xi32, #tpu.memory_space<vmem>>) target_semaphore(%run_scoped3A_60 : memref<!tpu.dma_semaphore, #tpu.memory_space<semaphore_mem>>)
      %dma_wait3A_65 = arith.constant 0 : i32
      %dma_wait3A_66 = tpu.memref_slice %arg3[%mul3A_2, %dma_wait3A_65] : memref<128x128xi32, #tpu.memory_space<hbm>> -> memref<4x128xi32, #tpu.memory_space<hbm>>
      %dma_wait3A_67 = arith.constant 0 : i32
      %dma_wait3A_68 = tpu.memref_slice %arg3[%mul3A_2, %dma_wait3A_67] : memref<128x128xi32, #tpu.memory_space<hbm>> -> memref<4x128xi32, #tpu.memory_space<hbm>>
      tpu.wait_dma2 semaphore(%run_scoped3A_60 : memref<!tpu.dma_semaphore, #tpu.memory_space<semaphore_mem>>) src(%dma_wait3A_68 : memref<4x128xi32, #tpu.memory_space<hbm>>) dst(%arg7 : memref<4x128xi32, #tpu.memory_space<vmem>>)
      tpu.yield
    }) : () -> ()
    "tpu.region"() ({
      %run_scoped3A_60 = tpu.sem_alloc : memref<!tpu.dma_semaphore, #tpu.memory_space<semaphore_mem>>
      %dma_start3A_61 = arith.constant 0 : i32
      %dma_start3A_62 = tpu.memref_slice %arg4[%mul3A_2, %dma_start3A_61] : memref<128x128xi32, #tpu.memory_space<hbm>> -> memref<4x128xi32, #tpu.memory_space<hbm>>
      %dma_start3A_63 = arith.constant 0 : i32
      %dma_start3A_64 = tpu.memref_slice %arg4[%mul3A_2, %dma_start3A_63] : memref<128x128xi32, #tpu.memory_space<hbm>> -> memref<4x128xi32, #tpu.memory_space<hbm>>
      tpu.enqueue_dma source(%dma_start3A_64 : memref<4x128xi32, #tpu.memory_space<hbm>>) target(%arg8 : memref<4x128xi32, #tpu.memory_space<vmem>>) target_semaphore(%run_scoped3A_60 : memref<!tpu.dma_semaphore, #tpu.memory_space<semaphore_mem>>)
      %dma_wait3A_65 = arith.constant 0 : i32
      %dma_wait3A_66 = tpu.memref_slice %arg4[%mul3A_2, %dma_wait3A_65] : memref<128x128xi32, #tpu.memory_space<hbm>> -> memref<4x128xi32, #tpu.memory_space<hbm>>
      %dma_wait3A_67 = arith.constant 0 : i32
      %dma_wait3A_68 = tpu.memref_slice %arg4[%mul3A_2, %dma_wait3A_67] : memref<128x128xi32, #tpu.memory_space<hbm>> -> memref<4x128xi32, #tpu.memory_space<hbm>>
      tpu.wait_dma2 semaphore(%run_scoped3A_60 : memref<!tpu.dma_semaphore, #tpu.memory_space<semaphore_mem>>) src(%dma_wait3A_68 : memref<4x128xi32, #tpu.memory_space<hbm>>) dst(%arg8 : memref<4x128xi32, #tpu.memory_space<vmem>>)
      tpu.yield
    }) : () -> ()
    %dma_start3A = arith.constant 0 : i32
    %dma_start3A_3 = arith.constant 0 : i32
    %dma_start3A_4 = tpu.memref_slice %arg8[%dma_start3A, %dma_start3A_3] : memref<4x128xi32, #tpu.memory_space<vmem>> -> memref<1x128xi32, #tpu.memory_space<vmem>>
    %dma_start3A_5 = tpu.memref_squeeze %dma_start3A_4 : memref<1x128xi32, #tpu.memory_space<vmem>> -> memref<128xi32, #tpu.memory_space<vmem>>
    %dma_start3A_6 = arith.constant 0 : i32
    %dma_start3A_7 = arith.constant 0 : i32
    %dma_start3A_8 = tpu.memref_slice %arg2[%dma_start3A_6, %dma_start3A_7] : memref<16384x128xf32, #tpu.memory_space<hbm>> -> memref<16384x128xf32, #tpu.memory_space<hbm>>
    tpu.enqueue_indirect_dma source(%dma_start3A_8 : memref<16384x128xf32, #tpu.memory_space<hbm>>) target(%arg9 : memref<128x128xf32, #tpu.memory_space<vmem>>) offsets(%dma_start3A_5 : memref<128xi32, #tpu.memory_space<vmem>>) semaphore(%arg10 : memref<!tpu.dma_semaphore, #tpu.memory_space<semaphore_mem>>)
    %dma_wait3A = arith.constant 0 : i32
    %dma_wait3A_9 = arith.constant 0 : i32
    %dma_wait3A_10 = tpu.memref_slice %arg8[%dma_wait3A, %dma_wait3A_9] : memref<4x128xi32, #tpu.memory_space<vmem>> -> memref<1x128xi32, #tpu.memory_space<vmem>>
    %dma_wait3A_11 = tpu.memref_squeeze %dma_wait3A_10 : memref<1x128xi32, #tpu.memory_space<vmem>> -> memref<128xi32, #tpu.memory_space<vmem>>
    %dma_wait3A_12 = arith.constant 0 : i32
    %dma_wait3A_13 = arith.constant 0 : i32
    %dma_wait3A_14 = tpu.memref_slice %arg2[%dma_wait3A_12, %dma_wait3A_13] : memref<16384x128xf32, #tpu.memory_space<hbm>> -> memref<16384x128xf32, #tpu.memory_space<hbm>>
    tpu.wait_indirect_dma semaphore(%arg10 : memref<!tpu.dma_semaphore, #tpu.memory_space<semaphore_mem>>) src(%dma_wait3A_14 : memref<16384x128xf32, #tpu.memory_space<hbm>>) dst(%arg9 : memref<128x128xf32, #tpu.memory_space<vmem>>)
    %run_scoped3A = arith.constant 0 : i32
    "tpu.region"() ({
      %run_scoped3A_60 = tpu.sem_alloc : memref<!tpu.dma_semaphore, #tpu.memory_space<semaphore_mem>>
      %dma_start3A_61 = arith.constant 0 : i32
      %dma_start3A_62 = tpu.memref_slice %arg7[%run_scoped3A, %dma_start3A_61] : memref<4x128xi32, #tpu.memory_space<vmem>> -> memref<1x128xi32, #tpu.memory_space<vmem>>
      %dma_start3A_63 = tpu.memref_squeeze %dma_start3A_62 : memref<1x128xi32, #tpu.memory_space<vmem>> -> memref<128xi32, #tpu.memory_space<vmem>>
      %dma_start3A_64 = arith.constant 0 : i32
      %dma_start3A_65 = arith.constant 0 : i32
      %dma_start3A_66 = tpu.memref_slice %arg5[%dma_start3A_64, %dma_start3A_65] : memref<100000x128xf32, #tpu.memory_space<hbm>> -> memref<100000x128xf32, #tpu.memory_space<hbm>>
      tpu.enqueue_indirect_dma source(%arg9 : memref<128x128xf32, #tpu.memory_space<vmem>>) target(%dma_start3A_66 : memref<100000x128xf32, #tpu.memory_space<hbm>>) offsets(%dma_start3A_63 : memref<128xi32, #tpu.memory_space<vmem>>) semaphore(%run_scoped3A_60 : memref<!tpu.dma_semaphore, #tpu.memory_space<semaphore_mem>>)
      %dma_wait3A_67 = arith.constant 0 : i32
      %dma_wait3A_68 = tpu.memref_slice %arg7[%run_scoped3A, %dma_wait3A_67] : memref<4x128xi32, #tpu.memory_space<vmem>> -> memref<1x128xi32, #tpu.memory_space<vmem>>
      %dma_wait3A_69 = tpu.memref_squeeze %dma_wait3A_68 : memref<1x128xi32, #tpu.memory_space<vmem>> -> memref<128xi32, #tpu.memory_space<vmem>>
      %dma_wait3A_70 = arith.constant 0 : i32
      %dma_wait3A_71 = arith.constant 0 : i32
      %dma_wait3A_72 = tpu.memref_slice %arg5[%dma_wait3A_70, %dma_wait3A_71] : memref<100000x128xf32, #tpu.memory_space<hbm>> -> memref<100000x128xf32, #tpu.memory_space<hbm>>
      tpu.wait_indirect_dma semaphore(%run_scoped3A_60 : memref<!tpu.dma_semaphore, #tpu.memory_space<semaphore_mem>>) src(%arg9 : memref<128x128xf32, #tpu.memory_space<vmem>>) dst(%dma_wait3A_72 : memref<100000x128xf32, #tpu.memory_space<hbm>>)
      tpu.yield
    }) : () -> ()
    %dma_start3A_15 = arith.constant 1 : i32
    %dma_start3A_16 = arith.constant 0 : i32
    %dma_start3A_17 = tpu.memref_slice %arg8[%dma_start3A_15, %dma_start3A_16] : memref<4x128xi32, #tpu.memory_space<vmem>> -> memref<1x128xi32, #tpu.memory_space<vmem>>
    %dma_start3A_18 = tpu.memref_squeeze %dma_start3A_17 : memref<1x128xi32, #tpu.memory_space<vmem>> -> memref<128xi32, #tpu.memory_space<vmem>>
    %dma_start3A_19 = arith.constant 0 : i32
    %dma_start3A_20 = arith.constant 0 : i32
    %dma_start3A_21 = tpu.memref_slice %arg2[%dma_start3A_19, %dma_start3A_20] : memref<16384x128xf32, #tpu.memory_space<hbm>> -> memref<16384x128xf32, #tpu.memory_space<hbm>>
    tpu.enqueue_indirect_dma source(%dma_start3A_21 : memref<16384x128xf32, #tpu.memory_space<hbm>>) target(%arg9 : memref<128x128xf32, #tpu.memory_space<vmem>>) offsets(%dma_start3A_18 : memref<128xi32, #tpu.memory_space<vmem>>) semaphore(%arg10 : memref<!tpu.dma_semaphore, #tpu.memory_space<semaphore_mem>>)
    %dma_wait3A_22 = arith.constant 1 : i32
    %dma_wait3A_23 = arith.constant 0 : i32
    %dma_wait3A_24 = tpu.memref_slice %arg8[%dma_wait3A_22, %dma_wait3A_23] : memref<4x128xi32, #tpu.memory_space<vmem>> -> memref<1x128xi32, #tpu.memory_space<vmem>>
    %dma_wait3A_25 = tpu.memref_squeeze %dma_wait3A_24 : memref<1x128xi32, #tpu.memory_space<vmem>> -> memref<128xi32, #tpu.memory_space<vmem>>
    %dma_wait3A_26 = arith.constant 0 : i32
    %dma_wait3A_27 = arith.constant 0 : i32
    %dma_wait3A_28 = tpu.memref_slice %arg2[%dma_wait3A_26, %dma_wait3A_27] : memref<16384x128xf32, #tpu.memory_space<hbm>> -> memref<16384x128xf32, #tpu.memory_space<hbm>>
    tpu.wait_indirect_dma semaphore(%arg10 : memref<!tpu.dma_semaphore, #tpu.memory_space<semaphore_mem>>) src(%dma_wait3A_28 : memref<16384x128xf32, #tpu.memory_space<hbm>>) dst(%arg9 : memref<128x128xf32, #tpu.memory_space<vmem>>)
    %run_scoped3A_29 = arith.constant 1 : i32
    "tpu.region"() ({
      %run_scoped3A_60 = tpu.sem_alloc : memref<!tpu.dma_semaphore, #tpu.memory_space<semaphore_mem>>
      %dma_start3A_61 = arith.constant 0 : i32
      %dma_start3A_62 = tpu.memref_slice %arg7[%run_scoped3A_29, %dma_start3A_61] : memref<4x128xi32, #tpu.memory_space<vmem>> -> memref<1x128xi32, #tpu.memory_space<vmem>>
      %dma_start3A_63 = tpu.memref_squeeze %dma_start3A_62 : memref<1x128xi32, #tpu.memory_space<vmem>> -> memref<128xi32, #tpu.memory_space<vmem>>
      %dma_start3A_64 = arith.constant 0 : i32
      %dma_start3A_65 = arith.constant 0 : i32
      %dma_start3A_66 = tpu.memref_slice %arg5[%dma_start3A_64, %dma_start3A_65] : memref<100000x128xf32, #tpu.memory_space<hbm>> -> memref<100000x128xf32, #tpu.memory_space<hbm>>
      tpu.enqueue_indirect_dma source(%arg9 : memref<128x128xf32, #tpu.memory_space<vmem>>) target(%dma_start3A_66 : memref<100000x128xf32, #tpu.memory_space<hbm>>) offsets(%dma_start3A_63 : memref<128xi32, #tpu.memory_space<vmem>>) semaphore(%run_scoped3A_60 : memref<!tpu.dma_semaphore, #tpu.memory_space<semaphore_mem>>)
      %dma_wait3A_67 = arith.constant 0 : i32
      %dma_wait3A_68 = tpu.memref_slice %arg7[%run_scoped3A_29, %dma_wait3A_67] : memref<4x128xi32, #tpu.memory_space<vmem>> -> memref<1x128xi32, #tpu.memory_space<vmem>>
      %dma_wait3A_69 = tpu.memref_squeeze %dma_wait3A_68 : memref<1x128xi32, #tpu.memory_space<vmem>> -> memref<128xi32, #tpu.memory_space<vmem>>
      %dma_wait3A_70 = arith.constant 0 : i32
      %dma_wait3A_71 = arith.constant 0 : i32
      %dma_wait3A_72 = tpu.memref_slice %arg5[%dma_wait3A_70, %dma_wait3A_71] : memref<100000x128xf32, #tpu.memory_space<hbm>> -> memref<100000x128xf32, #tpu.memory_space<hbm>>
      tpu.wait_indirect_dma semaphore(%run_scoped3A_60 : memref<!tpu.dma_semaphore, #tpu.memory_space<semaphore_mem>>) src(%arg9 : memref<128x128xf32, #tpu.memory_space<vmem>>) dst(%dma_wait3A_72 : memref<100000x128xf32, #tpu.memory_space<hbm>>)
      tpu.yield
    }) : () -> ()
    %dma_start3A_30 = arith.constant 2 : i32
    %dma_start3A_31 = arith.constant 0 : i32
    %dma_start3A_32 = tpu.memref_slice %arg8[%dma_start3A_30, %dma_start3A_31] : memref<4x128xi32, #tpu.memory_space<vmem>> -> memref<1x128xi32, #tpu.memory_space<vmem>>
    %dma_start3A_33 = tpu.memref_squeeze %dma_start3A_32 : memref<1x128xi32, #tpu.memory_space<vmem>> -> memref<128xi32, #tpu.memory_space<vmem>>
    %dma_start3A_34 = arith.constant 0 : i32
    %dma_start3A_35 = arith.constant 0 : i32
    %dma_start3A_36 = tpu.memref_slice %arg2[%dma_start3A_34, %dma_start3A_35] : memref<16384x128xf32, #tpu.memory_space<hbm>> -> memref<16384x128xf32, #tpu.memory_space<hbm>>
    tpu.enqueue_indirect_dma source(%dma_start3A_36 : memref<16384x128xf32, #tpu.memory_space<hbm>>) target(%arg9 : memref<128x128xf32, #tpu.memory_space<vmem>>) offsets(%dma_start3A_33 : memref<128xi32, #tpu.memory_space<vmem>>) semaphore(%arg10 : memref<!tpu.dma_semaphore, #tpu.memory_space<semaphore_mem>>)
    %dma_wait3A_37 = arith.constant 2 : i32
    %dma_wait3A_38 = arith.constant 0 : i32
    %dma_wait3A_39 = tpu.memref_slice %arg8[%dma_wait3A_37, %dma_wait3A_38] : memref<4x128xi32, #tpu.memory_space<vmem>> -> memref<1x128xi32, #tpu.memory_space<vmem>>
    %dma_wait3A_40 = tpu.memref_squeeze %dma_wait3A_39 : memref<1x128xi32, #tpu.memory_space<vmem>> -> memref<128xi32, #tpu.memory_space<vmem>>
    %dma_wait3A_41 = arith.constant 0 : i32
    %dma_wait3A_42 = arith.constant 0 : i32
    %dma_wait3A_43 = tpu.memref_slice %arg2[%dma_wait3A_41, %dma_wait3A_42] : memref<16384x128xf32, #tpu.memory_space<hbm>> -> memref<16384x128xf32, #tpu.memory_space<hbm>>
    tpu.wait_indirect_dma semaphore(%arg10 : memref<!tpu.dma_semaphore, #tpu.memory_space<semaphore_mem>>) src(%dma_wait3A_43 : memref<16384x128xf32, #tpu.memory_space<hbm>>) dst(%arg9 : memref<128x128xf32, #tpu.memory_space<vmem>>)
    %run_scoped3A_44 = arith.constant 2 : i32
    "tpu.region"() ({
      %run_scoped3A_60 = tpu.sem_alloc : memref<!tpu.dma_semaphore, #tpu.memory_space<semaphore_mem>>
      %dma_start3A_61 = arith.constant 0 : i32
      %dma_start3A_62 = tpu.memref_slice %arg7[%run_scoped3A_44, %dma_start3A_61] : memref<4x128xi32, #tpu.memory_space<vmem>> -> memref<1x128xi32, #tpu.memory_space<vmem>>
      %dma_start3A_63 = tpu.memref_squeeze %dma_start3A_62 : memref<1x128xi32, #tpu.memory_space<vmem>> -> memref<128xi32, #tpu.memory_space<vmem>>
      %dma_start3A_64 = arith.constant 0 : i32
      %dma_start3A_65 = arith.constant 0 : i32
      %dma_start3A_66 = tpu.memref_slice %arg5[%dma_start3A_64, %dma_start3A_65] : memref<100000x128xf32, #tpu.memory_space<hbm>> -> memref<100000x128xf32, #tpu.memory_space<hbm>>
      tpu.enqueue_indirect_dma source(%arg9 : memref<128x128xf32, #tpu.memory_space<vmem>>) target(%dma_start3A_66 : memref<100000x128xf32, #tpu.memory_space<hbm>>) offsets(%dma_start3A_63 : memref<128xi32, #tpu.memory_space<vmem>>) semaphore(%run_scoped3A_60 : memref<!tpu.dma_semaphore, #tpu.memory_space<semaphore_mem>>)
      %dma_wait3A_67 = arith.constant 0 : i32
      %dma_wait3A_68 = tpu.memref_slice %arg7[%run_scoped3A_44, %dma_wait3A_67] : memref<4x128xi32, #tpu.memory_space<vmem>> -> memref<1x128xi32, #tpu.memory_space<vmem>>
      %dma_wait3A_69 = tpu.memref_squeeze %dma_wait3A_68 : memref<1x128xi32, #tpu.memory_space<vmem>> -> memref<128xi32, #tpu.memory_space<vmem>>
      %dma_wait3A_70 = arith.constant 0 : i32
      %dma_wait3A_71 = arith.constant 0 : i32
      %dma_wait3A_72 = tpu.memref_slice %arg5[%dma_wait3A_70, %dma_wait3A_71] : memref<100000x128xf32, #tpu.memory_space<hbm>> -> memref<100000x128xf32, #tpu.memory_space<hbm>>
      tpu.wait_indirect_dma semaphore(%run_scoped3A_60 : memref<!tpu.dma_semaphore, #tpu.memory_space<semaphore_mem>>) src(%arg9 : memref<128x128xf32, #tpu.memory_space<vmem>>) dst(%dma_wait3A_72 : memref<100000x128xf32, #tpu.memory_space<hbm>>)
      tpu.yield
    }) : () -> ()
    %dma_start3A_45 = arith.constant 3 : i32
    %dma_start3A_46 = arith.constant 0 : i32
    %dma_start3A_47 = tpu.memref_slice %arg8[%dma_start3A_45, %dma_start3A_46] : memref<4x128xi32, #tpu.memory_space<vmem>> -> memref<1x128xi32, #tpu.memory_space<vmem>>
    %dma_start3A_48 = tpu.memref_squeeze %dma_start3A_47 : memref<1x128xi32, #tpu.memory_space<vmem>> -> memref<128xi32, #tpu.memory_space<vmem>>
    %dma_start3A_49 = arith.constant 0 : i32
    %dma_start3A_50 = arith.constant 0 : i32
    %dma_start3A_51 = tpu.memref_slice %arg2[%dma_start3A_49, %dma_start3A_50] : memref<16384x128xf32, #tpu.memory_space<hbm>> -> memref<16384x128xf32, #tpu.memory_space<hbm>>
    tpu.enqueue_indirect_dma source(%dma_start3A_51 : memref<16384x128xf32, #tpu.memory_space<hbm>>) target(%arg9 : memref<128x128xf32, #tpu.memory_space<vmem>>) offsets(%dma_start3A_48 : memref<128xi32, #tpu.memory_space<vmem>>) semaphore(%arg10 : memref<!tpu.dma_semaphore, #tpu.memory_space<semaphore_mem>>)
    %dma_wait3A_52 = arith.constant 3 : i32
    %dma_wait3A_53 = arith.constant 0 : i32
    %dma_wait3A_54 = tpu.memref_slice %arg8[%dma_wait3A_52, %dma_wait3A_53] : memref<4x128xi32, #tpu.memory_space<vmem>> -> memref<1x128xi32, #tpu.memory_space<vmem>>
    %dma_wait3A_55 = tpu.memref_squeeze %dma_wait3A_54 : memref<1x128xi32, #tpu.memory_space<vmem>> -> memref<128xi32, #tpu.memory_space<vmem>>
    %dma_wait3A_56 = arith.constant 0 : i32
    %dma_wait3A_57 = arith.constant 0 : i32
    %dma_wait3A_58 = tpu.memref_slice %arg2[%dma_wait3A_56, %dma_wait3A_57] : memref<16384x128xf32, #tpu.memory_space<hbm>> -> memref<16384x128xf32, #tpu.memory_space<hbm>>
    tpu.wait_indirect_dma semaphore(%arg10 : memref<!tpu.dma_semaphore, #tpu.memory_space<semaphore_mem>>) src(%dma_wait3A_58 : memref<16384x128xf32, #tpu.memory_space<hbm>>) dst(%arg9 : memref<128x128xf32, #tpu.memory_space<vmem>>)
    %run_scoped3A_59 = arith.constant 3 : i32
    "tpu.region"() ({
      %run_scoped3A_60 = tpu.sem_alloc : memref<!tpu.dma_semaphore, #tpu.memory_space<semaphore_mem>>
      %dma_start3A_61 = arith.constant 0 : i32
      %dma_start3A_62 = tpu.memref_slice %arg7[%run_scoped3A_59, %dma_start3A_61] : memref<4x128xi32, #tpu.memory_space<vmem>> -> memref<1x128xi32, #tpu.memory_space<vmem>>
      %dma_start3A_63 = tpu.memref_squeeze %dma_start3A_62 : memref<1x128xi32, #tpu.memory_space<vmem>> -> memref<128xi32, #tpu.memory_space<vmem>>
      %dma_start3A_64 = arith.constant 0 : i32
      %dma_start3A_65 = arith.constant 0 : i32
      %dma_start3A_66 = tpu.memref_slice %arg5[%dma_start3A_64, %dma_start3A_65] : memref<100000x128xf32, #tpu.memory_space<hbm>> -> memref<100000x128xf32, #tpu.memory_space<hbm>>
      tpu.enqueue_indirect_dma source(%arg9 : memref<128x128xf32, #tpu.memory_space<vmem>>) target(%dma_start3A_66 : memref<100000x128xf32, #tpu.memory_space<hbm>>) offsets(%dma_start3A_63 : memref<128xi32, #tpu.memory_space<vmem>>) semaphore(%run_scoped3A_60 : memref<!tpu.dma_semaphore, #tpu.memory_space<semaphore_mem>>)
      %dma_wait3A_67 = arith.constant 0 : i32
      %dma_wait3A_68 = tpu.memref_slice %arg7[%run_scoped3A_59, %dma_wait3A_67] : memref<4x128xi32, #tpu.memory_space<vmem>> -> memref<1x128xi32, #tpu.memory_space<vmem>>
      %dma_wait3A_69 = tpu.memref_squeeze %dma_wait3A_68 : memref<1x128xi32, #tpu.memory_space<vmem>> -> memref<128xi32, #tpu.memory_space<vmem>>
      %dma_wait3A_70 = arith.constant 0 : i32
      %dma_wait3A_71 = arith.constant 0 : i32
      %dma_wait3A_72 = tpu.memref_slice %arg5[%dma_wait3A_70, %dma_wait3A_71] : memref<100000x128xf32, #tpu.memory_space<hbm>> -> memref<100000x128xf32, #tpu.memory_space<hbm>>
      tpu.wait_indirect_dma semaphore(%run_scoped3A_60 : memref<!tpu.dma_semaphore, #tpu.memory_space<semaphore_mem>>) src(%arg9 : memref<128x128xf32, #tpu.memory_space<vmem>>) dst(%dma_wait3A_72 : memref<100000x128xf32, #tpu.memory_space<hbm>>)
      tpu.yield
    }) : () -> ()
    return
  }
}

#map = affine_map<(d0, d1) -> (0, 0)>
module attributes {stable_mosaic.version = 14 : i64} {
  func.func @_phase1_body(%arg0: i32, %arg1: i32, %arg2: memref<100000x128xf32, #tpu.memory_space<hbm>>, %arg3: memref<128x128xi32, #tpu.memory_space<hbm>>, %arg4: memref<16384x128xf32, #tpu.memory_space<hbm>>, %arg5: memref<128x128xi32, #tpu.memory_space<hbm>>, %arg6: memref<4x128xi32, #tpu.memory_space<vmem>>, %arg7: memref<128x128xf32, #tpu.memory_space<vmem>>, %arg8: memref<32x128xi32, #tpu.memory_space<vmem>>, %arg9: memref<32x128xi32, #tpu.memory_space<vmem>>, %arg10: memref<100000xi32, #tpu.memory_space<vmem>>, %arg11: memref<!tpu.dma_semaphore, #tpu.memory_space<semaphore_mem>>) attributes {dimension_semantics = [#tpu.dimension_semantics<core_parallel>, #tpu.dimension_semantics<subcore_parallel>], iteration_bounds = array<i64: 2, 16>, scalar_prefetch = 0 : i64, scratch_operands = 6 : i64, tpu.core_type = #tpu.core_type<sc_vector_subcore>, window_params = [{transform_indices = #map}, {transform_indices = #map}, {transform_indices = #map}, {transform_indices = #map}]} {
    %mul3A = arith.constant 2 : i32
    %mul3A_0 = arith.muli %arg1, %mul3A : i32
    %add3A = arith.addi %mul3A_0, %arg0 : i32
    %mul3A_1 = arith.constant 4 : i32
    %mul3A_2 = arith.muli %add3A, %mul3A_1 : i32
    "tpu.region"() ({
      %run_scoped3A = tpu.sem_alloc : memref<!tpu.dma_semaphore, #tpu.memory_space<semaphore_mem>>
      %dma_start3A_75 = arith.constant 0 : i32
      %dma_start3A_76 = tpu.memref_slice %arg3[%mul3A_2, %dma_start3A_75] : memref<128x128xi32, #tpu.memory_space<hbm>> -> memref<4x128xi32, #tpu.memory_space<hbm>>
      %dma_start3A_77 = arith.constant 0 : i32
      %dma_start3A_78 = tpu.memref_slice %arg3[%mul3A_2, %dma_start3A_77] : memref<128x128xi32, #tpu.memory_space<hbm>> -> memref<4x128xi32, #tpu.memory_space<hbm>>
      tpu.enqueue_dma source(%dma_start3A_78 : memref<4x128xi32, #tpu.memory_space<hbm>>) target(%arg6 : memref<4x128xi32, #tpu.memory_space<vmem>>) target_semaphore(%run_scoped3A : memref<!tpu.dma_semaphore, #tpu.memory_space<semaphore_mem>>)
      %dma_wait3A_79 = arith.constant 0 : i32
      %dma_wait3A_80 = tpu.memref_slice %arg3[%mul3A_2, %dma_wait3A_79] : memref<128x128xi32, #tpu.memory_space<hbm>> -> memref<4x128xi32, #tpu.memory_space<hbm>>
      %dma_wait3A_81 = arith.constant 0 : i32
      %dma_wait3A_82 = tpu.memref_slice %arg3[%mul3A_2, %dma_wait3A_81] : memref<128x128xi32, #tpu.memory_space<hbm>> -> memref<4x128xi32, #tpu.memory_space<hbm>>
      tpu.wait_dma2 semaphore(%run_scoped3A : memref<!tpu.dma_semaphore, #tpu.memory_space<semaphore_mem>>) src(%dma_wait3A_82 : memref<4x128xi32, #tpu.memory_space<hbm>>) dst(%arg6 : memref<4x128xi32, #tpu.memory_space<vmem>>)
      tpu.yield
    }) : () -> ()
    %dma_start3A = arith.constant 0 : i32
    %dma_start3A_3 = arith.constant 0 : i32
    %dma_start3A_4 = tpu.memref_slice %arg6[%dma_start3A, %dma_start3A_3] : memref<4x128xi32, #tpu.memory_space<vmem>> -> memref<1x128xi32, #tpu.memory_space<vmem>>
    %dma_start3A_5 = tpu.memref_squeeze %dma_start3A_4 : memref<1x128xi32, #tpu.memory_space<vmem>> -> memref<128xi32, #tpu.memory_space<vmem>>
    %dma_start3A_6 = arith.constant 0 : i32
    %dma_start3A_7 = arith.constant 0 : i32
    %dma_start3A_8 = tpu.memref_slice %arg2[%dma_start3A_6, %dma_start3A_7] : memref<100000x128xf32, #tpu.memory_space<hbm>> -> memref<100000x128xf32, #tpu.memory_space<hbm>>
    tpu.enqueue_indirect_dma source(%dma_start3A_8 : memref<100000x128xf32, #tpu.memory_space<hbm>>) target(%arg7 : memref<128x128xf32, #tpu.memory_space<vmem>>) offsets(%dma_start3A_5 : memref<128xi32, #tpu.memory_space<vmem>>) semaphore(%arg11 : memref<!tpu.dma_semaphore, #tpu.memory_space<semaphore_mem>>)
    %dma_wait3A = arith.constant 0 : i32
    %dma_wait3A_9 = arith.constant 0 : i32
    %dma_wait3A_10 = tpu.memref_slice %arg6[%dma_wait3A, %dma_wait3A_9] : memref<4x128xi32, #tpu.memory_space<vmem>> -> memref<1x128xi32, #tpu.memory_space<vmem>>
    %dma_wait3A_11 = tpu.memref_squeeze %dma_wait3A_10 : memref<1x128xi32, #tpu.memory_space<vmem>> -> memref<128xi32, #tpu.memory_space<vmem>>
    %dma_wait3A_12 = arith.constant 0 : i32
    %dma_wait3A_13 = arith.constant 0 : i32
    %dma_wait3A_14 = tpu.memref_slice %arg2[%dma_wait3A_12, %dma_wait3A_13] : memref<100000x128xf32, #tpu.memory_space<hbm>> -> memref<100000x128xf32, #tpu.memory_space<hbm>>
    tpu.wait_indirect_dma semaphore(%arg11 : memref<!tpu.dma_semaphore, #tpu.memory_space<semaphore_mem>>) src(%dma_wait3A_14 : memref<100000x128xf32, #tpu.memory_space<hbm>>) dst(%arg7 : memref<128x128xf32, #tpu.memory_space<vmem>>)
    %mul3A_15 = arith.constant 512 : i32
    %mul3A_16 = arith.muli %add3A, %mul3A_15 : i32
    %add3A_17 = arith.constant 0 : i32
    %add3A_18 = arith.addi %mul3A_16, %add3A_17 : i32
    "tpu.region"() ({
      %run_scoped3A = tpu.sem_alloc : memref<!tpu.dma_semaphore, #tpu.memory_space<semaphore_mem>>
      %dma_start3A_75 = arith.constant 0 : i32
      %dma_start3A_76 = tpu.memref_slice %arg4[%add3A_18, %dma_start3A_75] : memref<16384x128xf32, #tpu.memory_space<hbm>> -> memref<128x128xf32, #tpu.memory_space<hbm>>
      %dma_start3A_77 = arith.constant 0 : i32
      %dma_start3A_78 = tpu.memref_slice %arg4[%add3A_18, %dma_start3A_77] : memref<16384x128xf32, #tpu.memory_space<hbm>> -> memref<128x128xf32, #tpu.memory_space<hbm>>
      tpu.enqueue_dma source(%arg7 : memref<128x128xf32, #tpu.memory_space<vmem>>) target(%dma_start3A_78 : memref<128x128xf32, #tpu.memory_space<hbm>>) target_semaphore(%run_scoped3A : memref<!tpu.dma_semaphore, #tpu.memory_space<semaphore_mem>>)
      %dma_wait3A_79 = arith.constant 0 : i32
      %dma_wait3A_80 = tpu.memref_slice %arg4[%add3A_18, %dma_wait3A_79] : memref<16384x128xf32, #tpu.memory_space<hbm>> -> memref<128x128xf32, #tpu.memory_space<hbm>>
      %dma_wait3A_81 = arith.constant 0 : i32
      %dma_wait3A_82 = tpu.memref_slice %arg4[%add3A_18, %dma_wait3A_81] : memref<16384x128xf32, #tpu.memory_space<hbm>> -> memref<128x128xf32, #tpu.memory_space<hbm>>
      tpu.wait_dma2 semaphore(%run_scoped3A : memref<!tpu.dma_semaphore, #tpu.memory_space<semaphore_mem>>) src(%arg7 : memref<128x128xf32, #tpu.memory_space<vmem>>) dst(%dma_wait3A_82 : memref<128x128xf32, #tpu.memory_space<hbm>>)
      tpu.yield
    }) : () -> ()
    %dma_start3A_19 = arith.constant 1 : i32
    %dma_start3A_20 = arith.constant 0 : i32
    %dma_start3A_21 = tpu.memref_slice %arg6[%dma_start3A_19, %dma_start3A_20] : memref<4x128xi32, #tpu.memory_space<vmem>> -> memref<1x128xi32, #tpu.memory_space<vmem>>
    %dma_start3A_22 = tpu.memref_squeeze %dma_start3A_21 : memref<1x128xi32, #tpu.memory_space<vmem>> -> memref<128xi32, #tpu.memory_space<vmem>>
    %dma_start3A_23 = arith.constant 0 : i32
    %dma_start3A_24 = arith.constant 0 : i32
    %dma_start3A_25 = tpu.memref_slice %arg2[%dma_start3A_23, %dma_start3A_24] : memref<100000x128xf32, #tpu.memory_space<hbm>> -> memref<100000x128xf32, #tpu.memory_space<hbm>>
    tpu.enqueue_indirect_dma source(%dma_start3A_25 : memref<100000x128xf32, #tpu.memory_space<hbm>>) target(%arg7 : memref<128x128xf32, #tpu.memory_space<vmem>>) offsets(%dma_start3A_22 : memref<128xi32, #tpu.memory_space<vmem>>) semaphore(%arg11 : memref<!tpu.dma_semaphore, #tpu.memory_space<semaphore_mem>>)
    %dma_wait3A_26 = arith.constant 1 : i32
    %dma_wait3A_27 = arith.constant 0 : i32
    %dma_wait3A_28 = tpu.memref_slice %arg6[%dma_wait3A_26, %dma_wait3A_27] : memref<4x128xi32, #tpu.memory_space<vmem>> -> memref<1x128xi32, #tpu.memory_space<vmem>>
    %dma_wait3A_29 = tpu.memref_squeeze %dma_wait3A_28 : memref<1x128xi32, #tpu.memory_space<vmem>> -> memref<128xi32, #tpu.memory_space<vmem>>
    %dma_wait3A_30 = arith.constant 0 : i32
    %dma_wait3A_31 = arith.constant 0 : i32
    %dma_wait3A_32 = tpu.memref_slice %arg2[%dma_wait3A_30, %dma_wait3A_31] : memref<100000x128xf32, #tpu.memory_space<hbm>> -> memref<100000x128xf32, #tpu.memory_space<hbm>>
    tpu.wait_indirect_dma semaphore(%arg11 : memref<!tpu.dma_semaphore, #tpu.memory_space<semaphore_mem>>) src(%dma_wait3A_32 : memref<100000x128xf32, #tpu.memory_space<hbm>>) dst(%arg7 : memref<128x128xf32, #tpu.memory_space<vmem>>)
    %mul3A_33 = arith.constant 512 : i32
    %mul3A_34 = arith.muli %add3A, %mul3A_33 : i32
    %add3A_35 = arith.constant 128 : i32
    %add3A_36 = arith.addi %mul3A_34, %add3A_35 : i32
    "tpu.region"() ({
      %run_scoped3A = tpu.sem_alloc : memref<!tpu.dma_semaphore, #tpu.memory_space<semaphore_mem>>
      %dma_start3A_75 = arith.constant 0 : i32
      %dma_start3A_76 = tpu.memref_slice %arg4[%add3A_36, %dma_start3A_75] : memref<16384x128xf32, #tpu.memory_space<hbm>> -> memref<128x128xf32, #tpu.memory_space<hbm>>
      %dma_start3A_77 = arith.constant 0 : i32
      %dma_start3A_78 = tpu.memref_slice %arg4[%add3A_36, %dma_start3A_77] : memref<16384x128xf32, #tpu.memory_space<hbm>> -> memref<128x128xf32, #tpu.memory_space<hbm>>
      tpu.enqueue_dma source(%arg7 : memref<128x128xf32, #tpu.memory_space<vmem>>) target(%dma_start3A_78 : memref<128x128xf32, #tpu.memory_space<hbm>>) target_semaphore(%run_scoped3A : memref<!tpu.dma_semaphore, #tpu.memory_space<semaphore_mem>>)
      %dma_wait3A_79 = arith.constant 0 : i32
      %dma_wait3A_80 = tpu.memref_slice %arg4[%add3A_36, %dma_wait3A_79] : memref<16384x128xf32, #tpu.memory_space<hbm>> -> memref<128x128xf32, #tpu.memory_space<hbm>>
      %dma_wait3A_81 = arith.constant 0 : i32
      %dma_wait3A_82 = tpu.memref_slice %arg4[%add3A_36, %dma_wait3A_81] : memref<16384x128xf32, #tpu.memory_space<hbm>> -> memref<128x128xf32, #tpu.memory_space<hbm>>
      tpu.wait_dma2 semaphore(%run_scoped3A : memref<!tpu.dma_semaphore, #tpu.memory_space<semaphore_mem>>) src(%arg7 : memref<128x128xf32, #tpu.memory_space<vmem>>) dst(%dma_wait3A_82 : memref<128x128xf32, #tpu.memory_space<hbm>>)
      tpu.yield
    }) : () -> ()
    %dma_start3A_37 = arith.constant 2 : i32
    %dma_start3A_38 = arith.constant 0 : i32
    %dma_start3A_39 = tpu.memref_slice %arg6[%dma_start3A_37, %dma_start3A_38] : memref<4x128xi32, #tpu.memory_space<vmem>> -> memref<1x128xi32, #tpu.memory_space<vmem>>
    %dma_start3A_40 = tpu.memref_squeeze %dma_start3A_39 : memref<1x128xi32, #tpu.memory_space<vmem>> -> memref<128xi32, #tpu.memory_space<vmem>>
    %dma_start3A_41 = arith.constant 0 : i32
    %dma_start3A_42 = arith.constant 0 : i32
    %dma_start3A_43 = tpu.memref_slice %arg2[%dma_start3A_41, %dma_start3A_42] : memref<100000x128xf32, #tpu.memory_space<hbm>> -> memref<100000x128xf32, #tpu.memory_space<hbm>>
    tpu.enqueue_indirect_dma source(%dma_start3A_43 : memref<100000x128xf32, #tpu.memory_space<hbm>>) target(%arg7 : memref<128x128xf32, #tpu.memory_space<vmem>>) offsets(%dma_start3A_40 : memref<128xi32, #tpu.memory_space<vmem>>) semaphore(%arg11 : memref<!tpu.dma_semaphore, #tpu.memory_space<semaphore_mem>>)
    %dma_wait3A_44 = arith.constant 2 : i32
    %dma_wait3A_45 = arith.constant 0 : i32
    %dma_wait3A_46 = tpu.memref_slice %arg6[%dma_wait3A_44, %dma_wait3A_45] : memref<4x128xi32, #tpu.memory_space<vmem>> -> memref<1x128xi32, #tpu.memory_space<vmem>>
    %dma_wait3A_47 = tpu.memref_squeeze %dma_wait3A_46 : memref<1x128xi32, #tpu.memory_space<vmem>> -> memref<128xi32, #tpu.memory_space<vmem>>
    %dma_wait3A_48 = arith.constant 0 : i32
    %dma_wait3A_49 = arith.constant 0 : i32
    %dma_wait3A_50 = tpu.memref_slice %arg2[%dma_wait3A_48, %dma_wait3A_49] : memref<100000x128xf32, #tpu.memory_space<hbm>> -> memref<100000x128xf32, #tpu.memory_space<hbm>>
    tpu.wait_indirect_dma semaphore(%arg11 : memref<!tpu.dma_semaphore, #tpu.memory_space<semaphore_mem>>) src(%dma_wait3A_50 : memref<100000x128xf32, #tpu.memory_space<hbm>>) dst(%arg7 : memref<128x128xf32, #tpu.memory_space<vmem>>)
    %mul3A_51 = arith.constant 512 : i32
    %mul3A_52 = arith.muli %add3A, %mul3A_51 : i32
    %add3A_53 = arith.constant 256 : i32
    %add3A_54 = arith.addi %mul3A_52, %add3A_53 : i32
    "tpu.region"() ({
      %run_scoped3A = tpu.sem_alloc : memref<!tpu.dma_semaphore, #tpu.memory_space<semaphore_mem>>
      %dma_start3A_75 = arith.constant 0 : i32
      %dma_start3A_76 = tpu.memref_slice %arg4[%add3A_54, %dma_start3A_75] : memref<16384x128xf32, #tpu.memory_space<hbm>> -> memref<128x128xf32, #tpu.memory_space<hbm>>
      %dma_start3A_77 = arith.constant 0 : i32
      %dma_start3A_78 = tpu.memref_slice %arg4[%add3A_54, %dma_start3A_77] : memref<16384x128xf32, #tpu.memory_space<hbm>> -> memref<128x128xf32, #tpu.memory_space<hbm>>
      tpu.enqueue_dma source(%arg7 : memref<128x128xf32, #tpu.memory_space<vmem>>) target(%dma_start3A_78 : memref<128x128xf32, #tpu.memory_space<hbm>>) target_semaphore(%run_scoped3A : memref<!tpu.dma_semaphore, #tpu.memory_space<semaphore_mem>>)
      %dma_wait3A_79 = arith.constant 0 : i32
      %dma_wait3A_80 = tpu.memref_slice %arg4[%add3A_54, %dma_wait3A_79] : memref<16384x128xf32, #tpu.memory_space<hbm>> -> memref<128x128xf32, #tpu.memory_space<hbm>>
      %dma_wait3A_81 = arith.constant 0 : i32
      %dma_wait3A_82 = tpu.memref_slice %arg4[%add3A_54, %dma_wait3A_81] : memref<16384x128xf32, #tpu.memory_space<hbm>> -> memref<128x128xf32, #tpu.memory_space<hbm>>
      tpu.wait_dma2 semaphore(%run_scoped3A : memref<!tpu.dma_semaphore, #tpu.memory_space<semaphore_mem>>) src(%arg7 : memref<128x128xf32, #tpu.memory_space<vmem>>) dst(%dma_wait3A_82 : memref<128x128xf32, #tpu.memory_space<hbm>>)
      tpu.yield
    }) : () -> ()
    %dma_start3A_55 = arith.constant 3 : i32
    %dma_start3A_56 = arith.constant 0 : i32
    %dma_start3A_57 = tpu.memref_slice %arg6[%dma_start3A_55, %dma_start3A_56] : memref<4x128xi32, #tpu.memory_space<vmem>> -> memref<1x128xi32, #tpu.memory_space<vmem>>
    %dma_start3A_58 = tpu.memref_squeeze %dma_start3A_57 : memref<1x128xi32, #tpu.memory_space<vmem>> -> memref<128xi32, #tpu.memory_space<vmem>>
    %dma_start3A_59 = arith.constant 0 : i32
    %dma_start3A_60 = arith.constant 0 : i32
    %dma_start3A_61 = tpu.memref_slice %arg2[%dma_start3A_59, %dma_start3A_60] : memref<100000x128xf32, #tpu.memory_space<hbm>> -> memref<100000x128xf32, #tpu.memory_space<hbm>>
    tpu.enqueue_indirect_dma source(%dma_start3A_61 : memref<100000x128xf32, #tpu.memory_space<hbm>>) target(%arg7 : memref<128x128xf32, #tpu.memory_space<vmem>>) offsets(%dma_start3A_58 : memref<128xi32, #tpu.memory_space<vmem>>) semaphore(%arg11 : memref<!tpu.dma_semaphore, #tpu.memory_space<semaphore_mem>>)
    %dma_wait3A_62 = arith.constant 3 : i32
    %dma_wait3A_63 = arith.constant 0 : i32
    %dma_wait3A_64 = tpu.memref_slice %arg6[%dma_wait3A_62, %dma_wait3A_63] : memref<4x128xi32, #tpu.memory_space<vmem>> -> memref<1x128xi32, #tpu.memory_space<vmem>>
    %dma_wait3A_65 = tpu.memref_squeeze %dma_wait3A_64 : memref<1x128xi32, #tpu.memory_space<vmem>> -> memref<128xi32, #tpu.memory_space<vmem>>
    %dma_wait3A_66 = arith.constant 0 : i32
    %dma_wait3A_67 = arith.constant 0 : i32
    %dma_wait3A_68 = tpu.memref_slice %arg2[%dma_wait3A_66, %dma_wait3A_67] : memref<100000x128xf32, #tpu.memory_space<hbm>> -> memref<100000x128xf32, #tpu.memory_space<hbm>>
    tpu.wait_indirect_dma semaphore(%arg11 : memref<!tpu.dma_semaphore, #tpu.memory_space<semaphore_mem>>) src(%dma_wait3A_68 : memref<100000x128xf32, #tpu.memory_space<hbm>>) dst(%arg7 : memref<128x128xf32, #tpu.memory_space<vmem>>)
    %mul3A_69 = arith.constant 512 : i32
    %mul3A_70 = arith.muli %add3A, %mul3A_69 : i32
    %add3A_71 = arith.constant 384 : i32
    %add3A_72 = arith.addi %mul3A_70, %add3A_71 : i32
    "tpu.region"() ({
      %run_scoped3A = tpu.sem_alloc : memref<!tpu.dma_semaphore, #tpu.memory_space<semaphore_mem>>
      %dma_start3A_75 = arith.constant 0 : i32
      %dma_start3A_76 = tpu.memref_slice %arg4[%add3A_72, %dma_start3A_75] : memref<16384x128xf32, #tpu.memory_space<hbm>> -> memref<128x128xf32, #tpu.memory_space<hbm>>
      %dma_start3A_77 = arith.constant 0 : i32
      %dma_start3A_78 = tpu.memref_slice %arg4[%add3A_72, %dma_start3A_77] : memref<16384x128xf32, #tpu.memory_space<hbm>> -> memref<128x128xf32, #tpu.memory_space<hbm>>
      tpu.enqueue_dma source(%arg7 : memref<128x128xf32, #tpu.memory_space<vmem>>) target(%dma_start3A_78 : memref<128x128xf32, #tpu.memory_space<hbm>>) target_semaphore(%run_scoped3A : memref<!tpu.dma_semaphore, #tpu.memory_space<semaphore_mem>>)
      %dma_wait3A_79 = arith.constant 0 : i32
      %dma_wait3A_80 = tpu.memref_slice %arg4[%add3A_72, %dma_wait3A_79] : memref<16384x128xf32, #tpu.memory_space<hbm>> -> memref<128x128xf32, #tpu.memory_space<hbm>>
      %dma_wait3A_81 = arith.constant 0 : i32
      %dma_wait3A_82 = tpu.memref_slice %arg4[%add3A_72, %dma_wait3A_81] : memref<16384x128xf32, #tpu.memory_space<hbm>> -> memref<128x128xf32, #tpu.memory_space<hbm>>
      tpu.wait_dma2 semaphore(%run_scoped3A : memref<!tpu.dma_semaphore, #tpu.memory_space<semaphore_mem>>) src(%arg7 : memref<128x128xf32, #tpu.memory_space<vmem>>) dst(%dma_wait3A_82 : memref<128x128xf32, #tpu.memory_space<hbm>>)
      tpu.yield
    }) : () -> ()
    %eq3A = arith.constant 31 : i32
    %eq3A_73 = arith.cmpi eq, %add3A, %eq3A : i32
    %convert_element_type3A = arith.extui %eq3A_73 : i1 to i32
    %cond3A = arith.constant 0 : i32
    %cond3A_74 = arith.cmpi ne, %convert_element_type3A, %cond3A : i32
    scf.if %cond3A_74 {
      %iota3A = tpu.iota {dimensions = array<i32: 0>} : vector<16xi32>
      %scan3A = arith.constant 0 : i32
      %scan3A_75 = arith.constant 0 : i32
      %scan3A_76 = arith.constant 4 : i32
      %scan3A_77 = arith.addi %scan3A_75, %scan3A_76 : i32
      %scan3A_78 = arith.constant 1 : i32
      scf.for %scan3A_86 = %scan3A_75 to %scan3A_77 step %scan3A_78  : i32 {
        %mul3A_87 = arith.constant 32 : i32
        %mul3A_88 = arith.muli %scan3A_86, %mul3A_87 : i32
        "tpu.region"() ({
          %run_scoped3A = tpu.sem_alloc : memref<!tpu.dma_semaphore, #tpu.memory_space<semaphore_mem>>
          %dma_start3A_94 = arith.constant 0 : i32
          %dma_start3A_95 = tpu.memref_slice %arg3[%mul3A_88, %dma_start3A_94] : memref<128x128xi32, #tpu.memory_space<hbm>> -> memref<32x128xi32, #tpu.memory_space<hbm>>
          %dma_start3A_96 = arith.constant 0 : i32
          %dma_start3A_97 = tpu.memref_slice %arg3[%mul3A_88, %dma_start3A_96] : memref<128x128xi32, #tpu.memory_space<hbm>> -> memref<32x128xi32, #tpu.memory_space<hbm>>
          tpu.enqueue_dma source(%dma_start3A_97 : memref<32x128xi32, #tpu.memory_space<hbm>>) target(%arg8 : memref<32x128xi32, #tpu.memory_space<vmem>>) target_semaphore(%run_scoped3A : memref<!tpu.dma_semaphore, #tpu.memory_space<semaphore_mem>>)
          %dma_wait3A_98 = arith.constant 0 : i32
          %dma_wait3A_99 = tpu.memref_slice %arg3[%mul3A_88, %dma_wait3A_98] : memref<128x128xi32, #tpu.memory_space<hbm>> -> memref<32x128xi32, #tpu.memory_space<hbm>>
          %dma_wait3A_100 = arith.constant 0 : i32
          %dma_wait3A_101 = tpu.memref_slice %arg3[%mul3A_88, %dma_wait3A_100] : memref<128x128xi32, #tpu.memory_space<hbm>> -> memref<32x128xi32, #tpu.memory_space<hbm>>
          tpu.wait_dma2 semaphore(%run_scoped3A : memref<!tpu.dma_semaphore, #tpu.memory_space<semaphore_mem>>) src(%dma_wait3A_101 : memref<32x128xi32, #tpu.memory_space<hbm>>) dst(%arg8 : memref<32x128xi32, #tpu.memory_space<vmem>>)
          tpu.yield
        }) : () -> ()
        %scan3A_89 = arith.constant 0 : i32
        %scan3A_90 = arith.constant 256 : i32
        %scan3A_91 = arith.addi %scan3A_89, %scan3A_90 : i32
        %scan3A_92 = arith.constant 8 : i32
        scf.for %scan3A_94 = %scan3A_89 to %scan3A_91 step %scan3A_92  : i32 {
          %jit3A = arith.constant 8 : i32
          %div3A = arith.divsi %scan3A_94, %jit3A : i32
          %sign3A = arith.constant 0 : i32
          %sign3A_95 = arith.cmpi sgt, %scan3A_94, %sign3A : i32
          %sign3A_96 = arith.extui %sign3A_95 : i1 to i32
          %sign3A_97 = arith.constant 0 : i32
          %sign3A_98 = arith.cmpi slt, %scan3A_94, %sign3A_97 : i32
          %sign3A_99 = arith.extui %sign3A_98 : i1 to i32
          %sign3A_100 = arith.subi %sign3A_96, %sign3A_99 : i32
          %sign3A_101 = arith.constant 0 : i32
          %sign3A_102 = arith.cmpi sgt, %jit3A, %sign3A_101 : i32
          %sign3A_103 = arith.extui %sign3A_102 : i1 to i32
          %sign3A_104 = arith.constant 0 : i32
          %sign3A_105 = arith.cmpi slt, %jit3A, %sign3A_104 : i32
          %sign3A_106 = arith.extui %sign3A_105 : i1 to i32
          %sign3A_107 = arith.subi %sign3A_103, %sign3A_106 : i32
          %ne3A = arith.cmpi ne, %sign3A_100, %sign3A_107 : i32
          %rem3A = arith.remsi %scan3A_94, %jit3A : i32
          %ne3A_108 = arith.constant 0 : i32
          %ne3A_109 = arith.cmpi ne, %rem3A, %ne3A_108 : i32
          %and3A = arith.andi %ne3A, %ne3A_109 : i1
          %sub3A = arith.constant 1 : i32
          %sub3A_110 = arith.subi %div3A, %sub3A : i32
          %select_n3A = arith.select %and3A, %sub3A_110, %div3A : i32
          %jit3A_111 = arith.constant 8 : i32
          %eq3A_112 = arith.constant 0 : i32
          %eq3A_113 = arith.cmpi eq, %jit3A_111, %eq3A_112 : i32
          %jit3A_114 = arith.constant 1 : i32
          %select_n3A_115 = arith.select %eq3A_113, %jit3A_114, %jit3A_111 : i32
          %rem3A_116 = arith.remsi %scan3A_94, %select_n3A_115 : i32
          %ne3A_117 = arith.constant 0 : i32
          %ne3A_118 = arith.cmpi ne, %rem3A_116, %ne3A_117 : i32
          %lt3A = arith.constant 0 : i32
          %lt3A_119 = arith.cmpi slt, %rem3A_116, %lt3A : i32
          %lt3A_120 = arith.constant 0 : i32
          %lt3A_121 = arith.cmpi slt, %select_n3A_115, %lt3A_120 : i32
          %ne3A_122 = arith.xori %lt3A_119, %lt3A_121 : i1
          %and3A_123 = arith.andi %ne3A_122, %ne3A_118 : i1
          %add3A_124 = arith.addi %rem3A_116, %select_n3A_115 : i32
          %select_n3A_125 = arith.select %and3A_123, %add3A_124, %rem3A_116 : i32
          %mul3A_126 = arith.constant 16 : i32
          %mul3A_127 = arith.muli %select_n3A_125, %mul3A_126 : i32
          %get3A = arith.index_cast %select_n3A : i32 to index
          %get3A_128 = arith.index_cast %mul3A_127 : i32 to index
          %get3A_129 = tpu.vector_load %arg8[%get3A, %get3A_128] {strides = array<i32>} : memref<32x128xi32, #tpu.memory_space<vmem>>, vector<16xi32>,
          %mul3A_130 = arith.constant 4096 : i32
          %mul3A_131 = arith.muli %scan3A_86, %mul3A_130 : i32
          %mul3A_132 = arith.constant 16 : i32
          %mul3A_133 = arith.muli %scan3A_94, %mul3A_132 : i32
          %add3A_134 = arith.addi %mul3A_131, %mul3A_133 : i32
          %add3A_135 = vector.broadcast %add3A_134 : i32 to vector<16xi32>
          %add3A_136 = arith.addi %iota3A, %add3A_135 : vector<16xi32>
          %broadcast_in_dim3A = arith.constant true
          %broadcast_in_dim3A_137 = vector.broadcast %broadcast_in_dim3A : i1 to vector<16xi1>
          %unique3A, %unique3A_138 = tpu.scan_count mask(%broadcast_in_dim3A_137 : vector<16xi1>) value(%get3A_129 : vector<16xi32>) : vector<16xi1>, vector<16xi32>
          tpu.vector_store_idx %arg10[%get3A_129], %add3A_136 : memref<100000xi32, #tpu.memory_space<vmem>>[vector<16xi32>], vector<16xi32>,
          tpu.vector_store_idx %arg10[%get3A_129], %add3A_136 masked %unique3A : memref<100000xi32, #tpu.memory_space<vmem>>[vector<16xi32>], vector<16xi32>, vector<16xi1>
          %scan3A_139 = arith.constant 1 : i32
          %scan3A_140 = arith.addi %scan3A_94, %scan3A_139 : i32
          %jit3A_141 = arith.constant 8 : i32
          %div3A_142 = arith.divsi %scan3A_140, %jit3A_141 : i32
          %sign3A_143 = arith.constant 0 : i32
          %sign3A_144 = arith.cmpi sgt, %scan3A_140, %sign3A_143 : i32
          %sign3A_145 = arith.extui %sign3A_144 : i1 to i32
          %sign3A_146 = arith.constant 0 : i32
          %sign3A_147 = arith.cmpi slt, %scan3A_140, %sign3A_146 : i32
          %sign3A_148 = arith.extui %sign3A_147 : i1 to i32
          %sign3A_149 = arith.subi %sign3A_145, %sign3A_148 : i32
          %sign3A_150 = arith.constant 0 : i32
          %sign3A_151 = arith.cmpi sgt, %jit3A_141, %sign3A_150 : i32
          %sign3A_152 = arith.extui %sign3A_151 : i1 to i32
          %sign3A_153 = arith.constant 0 : i32
          %sign3A_154 = arith.cmpi slt, %jit3A_141, %sign3A_153 : i32
          %sign3A_155 = arith.extui %sign3A_154 : i1 to i32
          %sign3A_156 = arith.subi %sign3A_152, %sign3A_155 : i32
          %ne3A_157 = arith.cmpi ne, %sign3A_149, %sign3A_156 : i32
          %rem3A_158 = arith.remsi %scan3A_140, %jit3A_141 : i32
          %ne3A_159 = arith.constant 0 : i32
          %ne3A_160 = arith.cmpi ne, %rem3A_158, %ne3A_159 : i32
          %and3A_161 = arith.andi %ne3A_157, %ne3A_160 : i1
          %sub3A_162 = arith.constant 1 : i32
          %sub3A_163 = arith.subi %div3A_142, %sub3A_162 : i32
          %select_n3A_164 = arith.select %and3A_161, %sub3A_163, %div3A_142 : i32
          %jit3A_165 = arith.constant 8 : i32
          %eq3A_166 = arith.constant 0 : i32
          %eq3A_167 = arith.cmpi eq, %jit3A_165, %eq3A_166 : i32
          %jit3A_168 = arith.constant 1 : i32
          %select_n3A_169 = arith.select %eq3A_167, %jit3A_168, %jit3A_165 : i32
          %rem3A_170 = arith.remsi %scan3A_140, %select_n3A_169 : i32
          %ne3A_171 = arith.constant 0 : i32
          %ne3A_172 = arith.cmpi ne, %rem3A_170, %ne3A_171 : i32
          %lt3A_173 = arith.constant 0 : i32
          %lt3A_174 = arith.cmpi slt, %rem3A_170, %lt3A_173 : i32
          %lt3A_175 = arith.constant 0 : i32
          %lt3A_176 = arith.cmpi slt, %select_n3A_169, %lt3A_175 : i32
          %ne3A_177 = arith.xori %lt3A_174, %lt3A_176 : i1
          %and3A_178 = arith.andi %ne3A_177, %ne3A_172 : i1
          %add3A_179 = arith.addi %rem3A_170, %select_n3A_169 : i32
          %select_n3A_180 = arith.select %and3A_178, %add3A_179, %rem3A_170 : i32
          %mul3A_181 = arith.constant 16 : i32
          %mul3A_182 = arith.muli %select_n3A_180, %mul3A_181 : i32
          %get3A_183 = arith.index_cast %select_n3A_164 : i32 to index
          %get3A_184 = arith.index_cast %mul3A_182 : i32 to index
          %get3A_185 = tpu.vector_load %arg8[%get3A_183, %get3A_184] {strides = array<i32>} : memref<32x128xi32, #tpu.memory_space<vmem>>, vector<16xi32>,
          %mul3A_186 = arith.constant 4096 : i32
          %mul3A_187 = arith.muli %scan3A_86, %mul3A_186 : i32
          %mul3A_188 = arith.constant 16 : i32
          %mul3A_189 = arith.muli %scan3A_140, %mul3A_188 : i32
          %add3A_190 = arith.addi %mul3A_187, %mul3A_189 : i32
          %add3A_191 = vector.broadcast %add3A_190 : i32 to vector<16xi32>
          %add3A_192 = arith.addi %iota3A, %add3A_191 : vector<16xi32>
          %broadcast_in_dim3A_193 = arith.constant true
          %broadcast_in_dim3A_194 = vector.broadcast %broadcast_in_dim3A_193 : i1 to vector<16xi1>
          %unique3A_195, %unique3A_196 = tpu.scan_count mask(%broadcast_in_dim3A_194 : vector<16xi1>) value(%get3A_185 : vector<16xi32>) : vector<16xi1>, vector<16xi32>
          tpu.vector_store_idx %arg10[%get3A_185], %add3A_192 : memref<100000xi32, #tpu.memory_space<vmem>>[vector<16xi32>], vector<16xi32>,
          tpu.vector_store_idx %arg10[%get3A_185], %add3A_192 masked %unique3A_195 : memref<100000xi32, #tpu.memory_space<vmem>>[vector<16xi32>], vector<16xi32>, vector<16xi1>
          %scan3A_197 = arith.constant 2 : i32
          %scan3A_198 = arith.addi %scan3A_94, %scan3A_197 : i32
          %jit3A_199 = arith.constant 8 : i32
          %div3A_200 = arith.divsi %scan3A_198, %jit3A_199 : i32
          %sign3A_201 = arith.constant 0 : i32
          %sign3A_202 = arith.cmpi sgt, %scan3A_198, %sign3A_201 : i32
          %sign3A_203 = arith.extui %sign3A_202 : i1 to i32
          %sign3A_204 = arith.constant 0 : i32
          %sign3A_205 = arith.cmpi slt, %scan3A_198, %sign3A_204 : i32
          %sign3A_206 = arith.extui %sign3A_205 : i1 to i32
          %sign3A_207 = arith.subi %sign3A_203, %sign3A_206 : i32
          %sign3A_208 = arith.constant 0 : i32
          %sign3A_209 = arith.cmpi sgt, %jit3A_199, %sign3A_208 : i32
          %sign3A_210 = arith.extui %sign3A_209 : i1 to i32
          %sign3A_211 = arith.constant 0 : i32
          %sign3A_212 = arith.cmpi slt, %jit3A_199, %sign3A_211 : i32
          %sign3A_213 = arith.extui %sign3A_212 : i1 to i32
          %sign3A_214 = arith.subi %sign3A_210, %sign3A_213 : i32
          %ne3A_215 = arith.cmpi ne, %sign3A_207, %sign3A_214 : i32
          %rem3A_216 = arith.remsi %scan3A_198, %jit3A_199 : i32
          %ne3A_217 = arith.constant 0 : i32
          %ne3A_218 = arith.cmpi ne, %rem3A_216, %ne3A_217 : i32
          %and3A_219 = arith.andi %ne3A_215, %ne3A_218 : i1
          %sub3A_220 = arith.constant 1 : i32
          %sub3A_221 = arith.subi %div3A_200, %sub3A_220 : i32
          %select_n3A_222 = arith.select %and3A_219, %sub3A_221, %div3A_200 : i32
          %jit3A_223 = arith.constant 8 : i32
          %eq3A_224 = arith.constant 0 : i32
          %eq3A_225 = arith.cmpi eq, %jit3A_223, %eq3A_224 : i32
          %jit3A_226 = arith.constant 1 : i32
          %select_n3A_227 = arith.select %eq3A_225, %jit3A_226, %jit3A_223 : i32
          %rem3A_228 = arith.remsi %scan3A_198, %select_n3A_227 : i32
          %ne3A_229 = arith.constant 0 : i32
          %ne3A_230 = arith.cmpi ne, %rem3A_228, %ne3A_229 : i32
          %lt3A_231 = arith.constant 0 : i32
          %lt3A_232 = arith.cmpi slt, %rem3A_228, %lt3A_231 : i32
          %lt3A_233 = arith.constant 0 : i32
          %lt3A_234 = arith.cmpi slt, %select_n3A_227, %lt3A_233 : i32
          %ne3A_235 = arith.xori %lt3A_232, %lt3A_234 : i1
          %and3A_236 = arith.andi %ne3A_235, %ne3A_230 : i1
          %add3A_237 = arith.addi %rem3A_228, %select_n3A_227 : i32
          %select_n3A_238 = arith.select %and3A_236, %add3A_237, %rem3A_228 : i32
          %mul3A_239 = arith.constant 16 : i32
          %mul3A_240 = arith.muli %select_n3A_238, %mul3A_239 : i32
          %get3A_241 = arith.index_cast %select_n3A_222 : i32 to index
          %get3A_242 = arith.index_cast %mul3A_240 : i32 to index
          %get3A_243 = tpu.vector_load %arg8[%get3A_241, %get3A_242] {strides = array<i32>} : memref<32x128xi32, #tpu.memory_space<vmem>>, vector<16xi32>,
          %mul3A_244 = arith.constant 4096 : i32
          %mul3A_245 = arith.muli %scan3A_86, %mul3A_244 : i32
          %mul3A_246 = arith.constant 16 : i32
          %mul3A_247 = arith.muli %scan3A_198, %mul3A_246 : i32
          %add3A_248 = arith.addi %mul3A_245, %mul3A_247 : i32
          %add3A_249 = vector.broadcast %add3A_248 : i32 to vector<16xi32>
          %add3A_250 = arith.addi %iota3A, %add3A_249 : vector<16xi32>
          %broadcast_in_dim3A_251 = arith.constant true
          %broadcast_in_dim3A_252 = vector.broadcast %broadcast_in_dim3A_251 : i1 to vector<16xi1>
          %unique3A_253, %unique3A_254 = tpu.scan_count mask(%broadcast_in_dim3A_252 : vector<16xi1>) value(%get3A_243 : vector<16xi32>) : vector<16xi1>, vector<16xi32>
          tpu.vector_store_idx %arg10[%get3A_243], %add3A_250 : memref<100000xi32, #tpu.memory_space<vmem>>[vector<16xi32>], vector<16xi32>,
          tpu.vector_store_idx %arg10[%get3A_243], %add3A_250 masked %unique3A_253 : memref<100000xi32, #tpu.memory_space<vmem>>[vector<16xi32>], vector<16xi32>, vector<16xi1>
          %scan3A_255 = arith.constant 3 : i32
          %scan3A_256 = arith.addi %scan3A_94, %scan3A_255 : i32
          %jit3A_257 = arith.constant 8 : i32
          %div3A_258 = arith.divsi %scan3A_256, %jit3A_257 : i32
          %sign3A_259 = arith.constant 0 : i32
          %sign3A_260 = arith.cmpi sgt, %scan3A_256, %sign3A_259 : i32
          %sign3A_261 = arith.extui %sign3A_260 : i1 to i32
          %sign3A_262 = arith.constant 0 : i32
          %sign3A_263 = arith.cmpi slt, %scan3A_256, %sign3A_262 : i32
          %sign3A_264 = arith.extui %sign3A_263 : i1 to i32
          %sign3A_265 = arith.subi %sign3A_261, %sign3A_264 : i32
          %sign3A_266 = arith.constant 0 : i32
          %sign3A_267 = arith.cmpi sgt, %jit3A_257, %sign3A_266 : i32
          %sign3A_268 = arith.extui %sign3A_267 : i1 to i32
          %sign3A_269 = arith.constant 0 : i32
          %sign3A_270 = arith.cmpi slt, %jit3A_257, %sign3A_269 : i32
          %sign3A_271 = arith.extui %sign3A_270 : i1 to i32
          %sign3A_272 = arith.subi %sign3A_268, %sign3A_271 : i32
          %ne3A_273 = arith.cmpi ne, %sign3A_265, %sign3A_272 : i32
          %rem3A_274 = arith.remsi %scan3A_256, %jit3A_257 : i32
          %ne3A_275 = arith.constant 0 : i32
          %ne3A_276 = arith.cmpi ne, %rem3A_274, %ne3A_275 : i32
          %and3A_277 = arith.andi %ne3A_273, %ne3A_276 : i1
          %sub3A_278 = arith.constant 1 : i32
          %sub3A_279 = arith.subi %div3A_258, %sub3A_278 : i32
          %select_n3A_280 = arith.select %and3A_277, %sub3A_279, %div3A_258 : i32
          %jit3A_281 = arith.constant 8 : i32
          %eq3A_282 = arith.constant 0 : i32
          %eq3A_283 = arith.cmpi eq, %jit3A_281, %eq3A_282 : i32
          %jit3A_284 = arith.constant 1 : i32
          %select_n3A_285 = arith.select %eq3A_283, %jit3A_284, %jit3A_281 : i32
          %rem3A_286 = arith.remsi %scan3A_256, %select_n3A_285 : i32
          %ne3A_287 = arith.constant 0 : i32
          %ne3A_288 = arith.cmpi ne, %rem3A_286, %ne3A_287 : i32
          %lt3A_289 = arith.constant 0 : i32
          %lt3A_290 = arith.cmpi slt, %rem3A_286, %lt3A_289 : i32
          %lt3A_291 = arith.constant 0 : i32
          %lt3A_292 = arith.cmpi slt, %select_n3A_285, %lt3A_291 : i32
          %ne3A_293 = arith.xori %lt3A_290, %lt3A_292 : i1
          %and3A_294 = arith.andi %ne3A_293, %ne3A_288 : i1
          %add3A_295 = arith.addi %rem3A_286, %select_n3A_285 : i32
          %select_n3A_296 = arith.select %and3A_294, %add3A_295, %rem3A_286 : i32
          %mul3A_297 = arith.constant 16 : i32
          %mul3A_298 = arith.muli %select_n3A_296, %mul3A_297 : i32
          %get3A_299 = arith.index_cast %select_n3A_280 : i32 to index
          %get3A_300 = arith.index_cast %mul3A_298 : i32 to index
          %get3A_301 = tpu.vector_load %arg8[%get3A_299, %get3A_300] {strides = array<i32>} : memref<32x128xi32, #tpu.memory_space<vmem>>, vector<16xi32>,
          %mul3A_302 = arith.constant 4096 : i32
          %mul3A_303 = arith.muli %scan3A_86, %mul3A_302 : i32
          %mul3A_304 = arith.constant 16 : i32
          %mul3A_305 = arith.muli %scan3A_256, %mul3A_304 : i32
          %add3A_306 = arith.addi %mul3A_303, %mul3A_305 : i32
          %add3A_307 = vector.broadcast %add3A_306 : i32 to vector<16xi32>
          %add3A_308 = arith.addi %iota3A, %add3A_307 : vector<16xi32>
          %broadcast_in_dim3A_309 = arith.constant true
          %broadcast_in_dim3A_310 = vector.broadcast %broadcast_in_dim3A_309 : i1 to vector<16xi1>
          %unique3A_311, %unique3A_312 = tpu.scan_count mask(%broadcast_in_dim3A_310 : vector<16xi1>) value(%get3A_301 : vector<16xi32>) : vector<16xi1>, vector<16xi32>
          tpu.vector_store_idx %arg10[%get3A_301], %add3A_308 : memref<100000xi32, #tpu.memory_space<vmem>>[vector<16xi32>], vector<16xi32>,
          tpu.vector_store_idx %arg10[%get3A_301], %add3A_308 masked %unique3A_311 : memref<100000xi32, #tpu.memory_space<vmem>>[vector<16xi32>], vector<16xi32>, vector<16xi1>
          %scan3A_313 = arith.constant 4 : i32
          %scan3A_314 = arith.addi %scan3A_94, %scan3A_313 : i32
          %jit3A_315 = arith.constant 8 : i32
          %div3A_316 = arith.divsi %scan3A_314, %jit3A_315 : i32
          %sign3A_317 = arith.constant 0 : i32
          %sign3A_318 = arith.cmpi sgt, %scan3A_314, %sign3A_317 : i32
          %sign3A_319 = arith.extui %sign3A_318 : i1 to i32
          %sign3A_320 = arith.constant 0 : i32
          %sign3A_321 = arith.cmpi slt, %scan3A_314, %sign3A_320 : i32
          %sign3A_322 = arith.extui %sign3A_321 : i1 to i32
          %sign3A_323 = arith.subi %sign3A_319, %sign3A_322 : i32
          %sign3A_324 = arith.constant 0 : i32
          %sign3A_325 = arith.cmpi sgt, %jit3A_315, %sign3A_324 : i32
          %sign3A_326 = arith.extui %sign3A_325 : i1 to i32
          %sign3A_327 = arith.constant 0 : i32
          %sign3A_328 = arith.cmpi slt, %jit3A_315, %sign3A_327 : i32
          %sign3A_329 = arith.extui %sign3A_328 : i1 to i32
          %sign3A_330 = arith.subi %sign3A_326, %sign3A_329 : i32
          %ne3A_331 = arith.cmpi ne, %sign3A_323, %sign3A_330 : i32
          %rem3A_332 = arith.remsi %scan3A_314, %jit3A_315 : i32
          %ne3A_333 = arith.constant 0 : i32
          %ne3A_334 = arith.cmpi ne, %rem3A_332, %ne3A_333 : i32
          %and3A_335 = arith.andi %ne3A_331, %ne3A_334 : i1
          %sub3A_336 = arith.constant 1 : i32
          %sub3A_337 = arith.subi %div3A_316, %sub3A_336 : i32
          %select_n3A_338 = arith.select %and3A_335, %sub3A_337, %div3A_316 : i32
          %jit3A_339 = arith.constant 8 : i32
          %eq3A_340 = arith.constant 0 : i32
          %eq3A_341 = arith.cmpi eq, %jit3A_339, %eq3A_340 : i32
          %jit3A_342 = arith.constant 1 : i32
          %select_n3A_343 = arith.select %eq3A_341, %jit3A_342, %jit3A_339 : i32
          %rem3A_344 = arith.remsi %scan3A_314, %select_n3A_343 : i32
          %ne3A_345 = arith.constant 0 : i32
          %ne3A_346 = arith.cmpi ne, %rem3A_344, %ne3A_345 : i32
          %lt3A_347 = arith.constant 0 : i32
          %lt3A_348 = arith.cmpi slt, %rem3A_344, %lt3A_347 : i32
          %lt3A_349 = arith.constant 0 : i32
          %lt3A_350 = arith.cmpi slt, %select_n3A_343, %lt3A_349 : i32
          %ne3A_351 = arith.xori %lt3A_348, %lt3A_350 : i1
          %and3A_352 = arith.andi %ne3A_351, %ne3A_346 : i1
          %add3A_353 = arith.addi %rem3A_344, %select_n3A_343 : i32
          %select_n3A_354 = arith.select %and3A_352, %add3A_353, %rem3A_344 : i32
          %mul3A_355 = arith.constant 16 : i32
          %mul3A_356 = arith.muli %select_n3A_354, %mul3A_355 : i32
          %get3A_357 = arith.index_cast %select_n3A_338 : i32 to index
          %get3A_358 = arith.index_cast %mul3A_356 : i32 to index
          %get3A_359 = tpu.vector_load %arg8[%get3A_357, %get3A_358] {strides = array<i32>} : memref<32x128xi32, #tpu.memory_space<vmem>>, vector<16xi32>,
          %mul3A_360 = arith.constant 4096 : i32
          %mul3A_361 = arith.muli %scan3A_86, %mul3A_360 : i32
          %mul3A_362 = arith.constant 16 : i32
          %mul3A_363 = arith.muli %scan3A_314, %mul3A_362 : i32
          %add3A_364 = arith.addi %mul3A_361, %mul3A_363 : i32
          %add3A_365 = vector.broadcast %add3A_364 : i32 to vector<16xi32>
          %add3A_366 = arith.addi %iota3A, %add3A_365 : vector<16xi32>
          %broadcast_in_dim3A_367 = arith.constant true
          %broadcast_in_dim3A_368 = vector.broadcast %broadcast_in_dim3A_367 : i1 to vector<16xi1>
          %unique3A_369, %unique3A_370 = tpu.scan_count mask(%broadcast_in_dim3A_368 : vector<16xi1>) value(%get3A_359 : vector<16xi32>) : vector<16xi1>, vector<16xi32>
          tpu.vector_store_idx %arg10[%get3A_359], %add3A_366 : memref<100000xi32, #tpu.memory_space<vmem>>[vector<16xi32>], vector<16xi32>,
          tpu.vector_store_idx %arg10[%get3A_359], %add3A_366 masked %unique3A_369 : memref<100000xi32, #tpu.memory_space<vmem>>[vector<16xi32>], vector<16xi32>, vector<16xi1>
          %scan3A_371 = arith.constant 5 : i32
          %scan3A_372 = arith.addi %scan3A_94, %scan3A_371 : i32
          %jit3A_373 = arith.constant 8 : i32
          %div3A_374 = arith.divsi %scan3A_372, %jit3A_373 : i32
          %sign3A_375 = arith.constant 0 : i32
          %sign3A_376 = arith.cmpi sgt, %scan3A_372, %sign3A_375 : i32
          %sign3A_377 = arith.extui %sign3A_376 : i1 to i32
          %sign3A_378 = arith.constant 0 : i32
          %sign3A_379 = arith.cmpi slt, %scan3A_372, %sign3A_378 : i32
          %sign3A_380 = arith.extui %sign3A_379 : i1 to i32
          %sign3A_381 = arith.subi %sign3A_377, %sign3A_380 : i32
          %sign3A_382 = arith.constant 0 : i32
          %sign3A_383 = arith.cmpi sgt, %jit3A_373, %sign3A_382 : i32
          %sign3A_384 = arith.extui %sign3A_383 : i1 to i32
          %sign3A_385 = arith.constant 0 : i32
          %sign3A_386 = arith.cmpi slt, %jit3A_373, %sign3A_385 : i32
          %sign3A_387 = arith.extui %sign3A_386 : i1 to i32
          %sign3A_388 = arith.subi %sign3A_384, %sign3A_387 : i32
          %ne3A_389 = arith.cmpi ne, %sign3A_381, %sign3A_388 : i32
          %rem3A_390 = arith.remsi %scan3A_372, %jit3A_373 : i32
          %ne3A_391 = arith.constant 0 : i32
          %ne3A_392 = arith.cmpi ne, %rem3A_390, %ne3A_391 : i32
          %and3A_393 = arith.andi %ne3A_389, %ne3A_392 : i1
          %sub3A_394 = arith.constant 1 : i32
          %sub3A_395 = arith.subi %div3A_374, %sub3A_394 : i32
          %select_n3A_396 = arith.select %and3A_393, %sub3A_395, %div3A_374 : i32
          %jit3A_397 = arith.constant 8 : i32
          %eq3A_398 = arith.constant 0 : i32
          %eq3A_399 = arith.cmpi eq, %jit3A_397, %eq3A_398 : i32
          %jit3A_400 = arith.constant 1 : i32
          %select_n3A_401 = arith.select %eq3A_399, %jit3A_400, %jit3A_397 : i32
          %rem3A_402 = arith.remsi %scan3A_372, %select_n3A_401 : i32
          %ne3A_403 = arith.constant 0 : i32
          %ne3A_404 = arith.cmpi ne, %rem3A_402, %ne3A_403 : i32
          %lt3A_405 = arith.constant 0 : i32
          %lt3A_406 = arith.cmpi slt, %rem3A_402, %lt3A_405 : i32
          %lt3A_407 = arith.constant 0 : i32
          %lt3A_408 = arith.cmpi slt, %select_n3A_401, %lt3A_407 : i32
          %ne3A_409 = arith.xori %lt3A_406, %lt3A_408 : i1
          %and3A_410 = arith.andi %ne3A_409, %ne3A_404 : i1
          %add3A_411 = arith.addi %rem3A_402, %select_n3A_401 : i32
          %select_n3A_412 = arith.select %and3A_410, %add3A_411, %rem3A_402 : i32
          %mul3A_413 = arith.constant 16 : i32
          %mul3A_414 = arith.muli %select_n3A_412, %mul3A_413 : i32
          %get3A_415 = arith.index_cast %select_n3A_396 : i32 to index
          %get3A_416 = arith.index_cast %mul3A_414 : i32 to index
          %get3A_417 = tpu.vector_load %arg8[%get3A_415, %get3A_416] {strides = array<i32>} : memref<32x128xi32, #tpu.memory_space<vmem>>, vector<16xi32>,
          %mul3A_418 = arith.constant 4096 : i32
          %mul3A_419 = arith.muli %scan3A_86, %mul3A_418 : i32
          %mul3A_420 = arith.constant 16 : i32
          %mul3A_421 = arith.muli %scan3A_372, %mul3A_420 : i32
          %add3A_422 = arith.addi %mul3A_419, %mul3A_421 : i32
          %add3A_423 = vector.broadcast %add3A_422 : i32 to vector<16xi32>
          %add3A_424 = arith.addi %iota3A, %add3A_423 : vector<16xi32>
          %broadcast_in_dim3A_425 = arith.constant true
          %broadcast_in_dim3A_426 = vector.broadcast %broadcast_in_dim3A_425 : i1 to vector<16xi1>
          %unique3A_427, %unique3A_428 = tpu.scan_count mask(%broadcast_in_dim3A_426 : vector<16xi1>) value(%get3A_417 : vector<16xi32>) : vector<16xi1>, vector<16xi32>
          tpu.vector_store_idx %arg10[%get3A_417], %add3A_424 : memref<100000xi32, #tpu.memory_space<vmem>>[vector<16xi32>], vector<16xi32>,
          tpu.vector_store_idx %arg10[%get3A_417], %add3A_424 masked %unique3A_427 : memref<100000xi32, #tpu.memory_space<vmem>>[vector<16xi32>], vector<16xi32>, vector<16xi1>
          %scan3A_429 = arith.constant 6 : i32
          %scan3A_430 = arith.addi %scan3A_94, %scan3A_429 : i32
          %jit3A_431 = arith.constant 8 : i32
          %div3A_432 = arith.divsi %scan3A_430, %jit3A_431 : i32
          %sign3A_433 = arith.constant 0 : i32
          %sign3A_434 = arith.cmpi sgt, %scan3A_430, %sign3A_433 : i32
          %sign3A_435 = arith.extui %sign3A_434 : i1 to i32
          %sign3A_436 = arith.constant 0 : i32
          %sign3A_437 = arith.cmpi slt, %scan3A_430, %sign3A_436 : i32
          %sign3A_438 = arith.extui %sign3A_437 : i1 to i32
          %sign3A_439 = arith.subi %sign3A_435, %sign3A_438 : i32
          %sign3A_440 = arith.constant 0 : i32
          %sign3A_441 = arith.cmpi sgt, %jit3A_431, %sign3A_440 : i32
          %sign3A_442 = arith.extui %sign3A_441 : i1 to i32
          %sign3A_443 = arith.constant 0 : i32
          %sign3A_444 = arith.cmpi slt, %jit3A_431, %sign3A_443 : i32
          %sign3A_445 = arith.extui %sign3A_444 : i1 to i32
          %sign3A_446 = arith.subi %sign3A_442, %sign3A_445 : i32
          %ne3A_447 = arith.cmpi ne, %sign3A_439, %sign3A_446 : i32
          %rem3A_448 = arith.remsi %scan3A_430, %jit3A_431 : i32
          %ne3A_449 = arith.constant 0 : i32
          %ne3A_450 = arith.cmpi ne, %rem3A_448, %ne3A_449 : i32
          %and3A_451 = arith.andi %ne3A_447, %ne3A_450 : i1
          %sub3A_452 = arith.constant 1 : i32
          %sub3A_453 = arith.subi %div3A_432, %sub3A_452 : i32
          %select_n3A_454 = arith.select %and3A_451, %sub3A_453, %div3A_432 : i32
          %jit3A_455 = arith.constant 8 : i32
          %eq3A_456 = arith.constant 0 : i32
          %eq3A_457 = arith.cmpi eq, %jit3A_455, %eq3A_456 : i32
          %jit3A_458 = arith.constant 1 : i32
          %select_n3A_459 = arith.select %eq3A_457, %jit3A_458, %jit3A_455 : i32
          %rem3A_460 = arith.remsi %scan3A_430, %select_n3A_459 : i32
          %ne3A_461 = arith.constant 0 : i32
          %ne3A_462 = arith.cmpi ne, %rem3A_460, %ne3A_461 : i32
          %lt3A_463 = arith.constant 0 : i32
          %lt3A_464 = arith.cmpi slt, %rem3A_460, %lt3A_463 : i32
          %lt3A_465 = arith.constant 0 : i32
          %lt3A_466 = arith.cmpi slt, %select_n3A_459, %lt3A_465 : i32
          %ne3A_467 = arith.xori %lt3A_464, %lt3A_466 : i1
          %and3A_468 = arith.andi %ne3A_467, %ne3A_462 : i1
          %add3A_469 = arith.addi %rem3A_460, %select_n3A_459 : i32
          %select_n3A_470 = arith.select %and3A_468, %add3A_469, %rem3A_460 : i32
          %mul3A_471 = arith.constant 16 : i32
          %mul3A_472 = arith.muli %select_n3A_470, %mul3A_471 : i32
          %get3A_473 = arith.index_cast %select_n3A_454 : i32 to index
          %get3A_474 = arith.index_cast %mul3A_472 : i32 to index
          %get3A_475 = tpu.vector_load %arg8[%get3A_473, %get3A_474] {strides = array<i32>} : memref<32x128xi32, #tpu.memory_space<vmem>>, vector<16xi32>,
          %mul3A_476 = arith.constant 4096 : i32
          %mul3A_477 = arith.muli %scan3A_86, %mul3A_476 : i32
          %mul3A_478 = arith.constant 16 : i32
          %mul3A_479 = arith.muli %scan3A_430, %mul3A_478 : i32
          %add3A_480 = arith.addi %mul3A_477, %mul3A_479 : i32
          %add3A_481 = vector.broadcast %add3A_480 : i32 to vector<16xi32>
          %add3A_482 = arith.addi %iota3A, %add3A_481 : vector<16xi32>
          %broadcast_in_dim3A_483 = arith.constant true
          %broadcast_in_dim3A_484 = vector.broadcast %broadcast_in_dim3A_483 : i1 to vector<16xi1>
          %unique3A_485, %unique3A_486 = tpu.scan_count mask(%broadcast_in_dim3A_484 : vector<16xi1>) value(%get3A_475 : vector<16xi32>) : vector<16xi1>, vector<16xi32>
          tpu.vector_store_idx %arg10[%get3A_475], %add3A_482 : memref<100000xi32, #tpu.memory_space<vmem>>[vector<16xi32>], vector<16xi32>,
          tpu.vector_store_idx %arg10[%get3A_475], %add3A_482 masked %unique3A_485 : memref<100000xi32, #tpu.memory_space<vmem>>[vector<16xi32>], vector<16xi32>, vector<16xi1>
          %scan3A_487 = arith.constant 7 : i32
          %scan3A_488 = arith.addi %scan3A_94, %scan3A_487 : i32
          %jit3A_489 = arith.constant 8 : i32
          %div3A_490 = arith.divsi %scan3A_488, %jit3A_489 : i32
          %sign3A_491 = arith.constant 0 : i32
          %sign3A_492 = arith.cmpi sgt, %scan3A_488, %sign3A_491 : i32
          %sign3A_493 = arith.extui %sign3A_492 : i1 to i32
          %sign3A_494 = arith.constant 0 : i32
          %sign3A_495 = arith.cmpi slt, %scan3A_488, %sign3A_494 : i32
          %sign3A_496 = arith.extui %sign3A_495 : i1 to i32
          %sign3A_497 = arith.subi %sign3A_493, %sign3A_496 : i32
          %sign3A_498 = arith.constant 0 : i32
          %sign3A_499 = arith.cmpi sgt, %jit3A_489, %sign3A_498 : i32
          %sign3A_500 = arith.extui %sign3A_499 : i1 to i32
          %sign3A_501 = arith.constant 0 : i32
          %sign3A_502 = arith.cmpi slt, %jit3A_489, %sign3A_501 : i32
          %sign3A_503 = arith.extui %sign3A_502 : i1 to i32
          %sign3A_504 = arith.subi %sign3A_500, %sign3A_503 : i32
          %ne3A_505 = arith.cmpi ne, %sign3A_497, %sign3A_504 : i32
          %rem3A_506 = arith.remsi %scan3A_488, %jit3A_489 : i32
          %ne3A_507 = arith.constant 0 : i32
          %ne3A_508 = arith.cmpi ne, %rem3A_506, %ne3A_507 : i32
          %and3A_509 = arith.andi %ne3A_505, %ne3A_508 : i1
          %sub3A_510 = arith.constant 1 : i32
          %sub3A_511 = arith.subi %div3A_490, %sub3A_510 : i32
          %select_n3A_512 = arith.select %and3A_509, %sub3A_511, %div3A_490 : i32
          %jit3A_513 = arith.constant 8 : i32
          %eq3A_514 = arith.constant 0 : i32
          %eq3A_515 = arith.cmpi eq, %jit3A_513, %eq3A_514 : i32
          %jit3A_516 = arith.constant 1 : i32
          %select_n3A_517 = arith.select %eq3A_515, %jit3A_516, %jit3A_513 : i32
          %rem3A_518 = arith.remsi %scan3A_488, %select_n3A_517 : i32
          %ne3A_519 = arith.constant 0 : i32
          %ne3A_520 = arith.cmpi ne, %rem3A_518, %ne3A_519 : i32
          %lt3A_521 = arith.constant 0 : i32
          %lt3A_522 = arith.cmpi slt, %rem3A_518, %lt3A_521 : i32
          %lt3A_523 = arith.constant 0 : i32
          %lt3A_524 = arith.cmpi slt, %select_n3A_517, %lt3A_523 : i32
          %ne3A_525 = arith.xori %lt3A_522, %lt3A_524 : i1
          %and3A_526 = arith.andi %ne3A_525, %ne3A_520 : i1
          %add3A_527 = arith.addi %rem3A_518, %select_n3A_517 : i32
          %select_n3A_528 = arith.select %and3A_526, %add3A_527, %rem3A_518 : i32
          %mul3A_529 = arith.constant 16 : i32
          %mul3A_530 = arith.muli %select_n3A_528, %mul3A_529 : i32
          %get3A_531 = arith.index_cast %select_n3A_512 : i32 to index
          %get3A_532 = arith.index_cast %mul3A_530 : i32 to index
          %get3A_533 = tpu.vector_load %arg8[%get3A_531, %get3A_532] {strides = array<i32>} : memref<32x128xi32, #tpu.memory_space<vmem>>, vector<16xi32>,
          %mul3A_534 = arith.constant 4096 : i32
          %mul3A_535 = arith.muli %scan3A_86, %mul3A_534 : i32
          %mul3A_536 = arith.constant 16 : i32
          %mul3A_537 = arith.muli %scan3A_488, %mul3A_536 : i32
          %add3A_538 = arith.addi %mul3A_535, %mul3A_537 : i32
          %add3A_539 = vector.broadcast %add3A_538 : i32 to vector<16xi32>
          %add3A_540 = arith.addi %iota3A, %add3A_539 : vector<16xi32>
          %broadcast_in_dim3A_541 = arith.constant true
          %broadcast_in_dim3A_542 = vector.broadcast %broadcast_in_dim3A_541 : i1 to vector<16xi1>
          %unique3A_543, %unique3A_544 = tpu.scan_count mask(%broadcast_in_dim3A_542 : vector<16xi1>) value(%get3A_533 : vector<16xi32>) : vector<16xi1>, vector<16xi32>
          tpu.vector_store_idx %arg10[%get3A_533], %add3A_540 : memref<100000xi32, #tpu.memory_space<vmem>>[vector<16xi32>], vector<16xi32>,
          tpu.vector_store_idx %arg10[%get3A_533], %add3A_540 masked %unique3A_543 : memref<100000xi32, #tpu.memory_space<vmem>>[vector<16xi32>], vector<16xi32>, vector<16xi1>
        }
        %scan3A_93 = arith.constant 256 : i32
      }
      %scan3A_79 = arith.constant 4 : i32
      %scan3A_80 = arith.constant 0 : i32
      %scan3A_81 = arith.constant 0 : i32
      %scan3A_82 = arith.constant 4 : i32
      %scan3A_83 = arith.addi %scan3A_81, %scan3A_82 : i32
      %scan3A_84 = arith.constant 1 : i32
      scf.for %scan3A_86 = %scan3A_81 to %scan3A_83 step %scan3A_84  : i32 {
        %mul3A_87 = arith.constant 32 : i32
        %mul3A_88 = arith.muli %scan3A_86, %mul3A_87 : i32
        "tpu.region"() ({
          %run_scoped3A = tpu.sem_alloc : memref<!tpu.dma_semaphore, #tpu.memory_space<semaphore_mem>>
          %dma_start3A_96 = arith.constant 0 : i32
          %dma_start3A_97 = tpu.memref_slice %arg3[%mul3A_88, %dma_start3A_96] : memref<128x128xi32, #tpu.memory_space<hbm>> -> memref<32x128xi32, #tpu.memory_space<hbm>>
          %dma_start3A_98 = arith.constant 0 : i32
          %dma_start3A_99 = tpu.memref_slice %arg3[%mul3A_88, %dma_start3A_98] : memref<128x128xi32, #tpu.memory_space<hbm>> -> memref<32x128xi32, #tpu.memory_space<hbm>>
          tpu.enqueue_dma source(%dma_start3A_99 : memref<32x128xi32, #tpu.memory_space<hbm>>) target(%arg8 : memref<32x128xi32, #tpu.memory_space<vmem>>) target_semaphore(%run_scoped3A : memref<!tpu.dma_semaphore, #tpu.memory_space<semaphore_mem>>)
          %dma_wait3A_100 = arith.constant 0 : i32
          %dma_wait3A_101 = tpu.memref_slice %arg3[%mul3A_88, %dma_wait3A_100] : memref<128x128xi32, #tpu.memory_space<hbm>> -> memref<32x128xi32, #tpu.memory_space<hbm>>
          %dma_wait3A_102 = arith.constant 0 : i32
          %dma_wait3A_103 = tpu.memref_slice %arg3[%mul3A_88, %dma_wait3A_102] : memref<128x128xi32, #tpu.memory_space<hbm>> -> memref<32x128xi32, #tpu.memory_space<hbm>>
          tpu.wait_dma2 semaphore(%run_scoped3A : memref<!tpu.dma_semaphore, #tpu.memory_space<semaphore_mem>>) src(%dma_wait3A_103 : memref<32x128xi32, #tpu.memory_space<hbm>>) dst(%arg8 : memref<32x128xi32, #tpu.memory_space<vmem>>)
          tpu.yield
        }) : () -> ()
        %scan3A_89 = arith.constant 0 : i32
        %scan3A_90 = arith.constant 256 : i32
        %scan3A_91 = arith.addi %scan3A_89, %scan3A_90 : i32
        %scan3A_92 = arith.constant 8 : i32
        scf.for %scan3A_96 = %scan3A_89 to %scan3A_91 step %scan3A_92  : i32 {
          %jit3A = arith.constant 8 : i32
          %div3A = arith.divsi %scan3A_96, %jit3A : i32
          %sign3A = arith.constant 0 : i32
          %sign3A_97 = arith.cmpi sgt, %scan3A_96, %sign3A : i32
          %sign3A_98 = arith.extui %sign3A_97 : i1 to i32
          %sign3A_99 = arith.constant 0 : i32
          %sign3A_100 = arith.cmpi slt, %scan3A_96, %sign3A_99 : i32
          %sign3A_101 = arith.extui %sign3A_100 : i1 to i32
          %sign3A_102 = arith.subi %sign3A_98, %sign3A_101 : i32
          %sign3A_103 = arith.constant 0 : i32
          %sign3A_104 = arith.cmpi sgt, %jit3A, %sign3A_103 : i32
          %sign3A_105 = arith.extui %sign3A_104 : i1 to i32
          %sign3A_106 = arith.constant 0 : i32
          %sign3A_107 = arith.cmpi slt, %jit3A, %sign3A_106 : i32
          %sign3A_108 = arith.extui %sign3A_107 : i1 to i32
          %sign3A_109 = arith.subi %sign3A_105, %sign3A_108 : i32
          %ne3A = arith.cmpi ne, %sign3A_102, %sign3A_109 : i32
          %rem3A = arith.remsi %scan3A_96, %jit3A : i32
          %ne3A_110 = arith.constant 0 : i32
          %ne3A_111 = arith.cmpi ne, %rem3A, %ne3A_110 : i32
          %and3A = arith.andi %ne3A, %ne3A_111 : i1
          %sub3A = arith.constant 1 : i32
          %sub3A_112 = arith.subi %div3A, %sub3A : i32
          %select_n3A = arith.select %and3A, %sub3A_112, %div3A : i32
          %jit3A_113 = arith.constant 8 : i32
          %eq3A_114 = arith.constant 0 : i32
          %eq3A_115 = arith.cmpi eq, %jit3A_113, %eq3A_114 : i32
          %jit3A_116 = arith.constant 1 : i32
          %select_n3A_117 = arith.select %eq3A_115, %jit3A_116, %jit3A_113 : i32
          %rem3A_118 = arith.remsi %scan3A_96, %select_n3A_117 : i32
          %ne3A_119 = arith.constant 0 : i32
          %ne3A_120 = arith.cmpi ne, %rem3A_118, %ne3A_119 : i32
          %lt3A = arith.constant 0 : i32
          %lt3A_121 = arith.cmpi slt, %rem3A_118, %lt3A : i32
          %lt3A_122 = arith.constant 0 : i32
          %lt3A_123 = arith.cmpi slt, %select_n3A_117, %lt3A_122 : i32
          %ne3A_124 = arith.xori %lt3A_121, %lt3A_123 : i1
          %and3A_125 = arith.andi %ne3A_124, %ne3A_120 : i1
          %add3A_126 = arith.addi %rem3A_118, %select_n3A_117 : i32
          %select_n3A_127 = arith.select %and3A_125, %add3A_126, %rem3A_118 : i32
          %mul3A_128 = arith.constant 16 : i32
          %mul3A_129 = arith.muli %select_n3A_127, %mul3A_128 : i32
          %get3A = arith.index_cast %select_n3A : i32 to index
          %get3A_130 = arith.index_cast %mul3A_129 : i32 to index
          %get3A_131 = tpu.vector_load %arg8[%get3A, %get3A_130] {strides = array<i32>} : memref<32x128xi32, #tpu.memory_space<vmem>>, vector<16xi32>,
          %gather3A = tpu.vector_load_idx %arg10[%get3A_131] : memref<100000xi32, #tpu.memory_space<vmem>>[vector<16xi32>], vector<16xi32>,
          %swap3A = arith.index_cast %select_n3A : i32 to index
          %swap3A_132 = arith.index_cast %mul3A_129 : i32 to index
          %swap3A_133 = tpu.vector_load %arg9[%swap3A, %swap3A_132] {strides = array<i32>} : memref<32x128xi32, #tpu.memory_space<vmem>>, vector<16xi32>,
          tpu.vector_store %arg9[%swap3A, %swap3A_132], %gather3A {strides = array<i32>} : memref<32x128xi32, #tpu.memory_space<vmem>>, vector<16xi32>,
          %scan3A_134 = arith.constant 1 : i32
          %scan3A_135 = arith.addi %scan3A_96, %scan3A_134 : i32
          %jit3A_136 = arith.constant 8 : i32
          %div3A_137 = arith.divsi %scan3A_135, %jit3A_136 : i32
          %sign3A_138 = arith.constant 0 : i32
          %sign3A_139 = arith.cmpi sgt, %scan3A_135, %sign3A_138 : i32
          %sign3A_140 = arith.extui %sign3A_139 : i1 to i32
          %sign3A_141 = arith.constant 0 : i32
          %sign3A_142 = arith.cmpi slt, %scan3A_135, %sign3A_141 : i32
          %sign3A_143 = arith.extui %sign3A_142 : i1 to i32
          %sign3A_144 = arith.subi %sign3A_140, %sign3A_143 : i32
          %sign3A_145 = arith.constant 0 : i32
          %sign3A_146 = arith.cmpi sgt, %jit3A_136, %sign3A_145 : i32
          %sign3A_147 = arith.extui %sign3A_146 : i1 to i32
          %sign3A_148 = arith.constant 0 : i32
          %sign3A_149 = arith.cmpi slt, %jit3A_136, %sign3A_148 : i32
          %sign3A_150 = arith.extui %sign3A_149 : i1 to i32
          %sign3A_151 = arith.subi %sign3A_147, %sign3A_150 : i32
          %ne3A_152 = arith.cmpi ne, %sign3A_144, %sign3A_151 : i32
          %rem3A_153 = arith.remsi %scan3A_135, %jit3A_136 : i32
          %ne3A_154 = arith.constant 0 : i32
          %ne3A_155 = arith.cmpi ne, %rem3A_153, %ne3A_154 : i32
          %and3A_156 = arith.andi %ne3A_152, %ne3A_155 : i1
          %sub3A_157 = arith.constant 1 : i32
          %sub3A_158 = arith.subi %div3A_137, %sub3A_157 : i32
          %select_n3A_159 = arith.select %and3A_156, %sub3A_158, %div3A_137 : i32
          %jit3A_160 = arith.constant 8 : i32
          %eq3A_161 = arith.constant 0 : i32
          %eq3A_162 = arith.cmpi eq, %jit3A_160, %eq3A_161 : i32
          %jit3A_163 = arith.constant 1 : i32
          %select_n3A_164 = arith.select %eq3A_162, %jit3A_163, %jit3A_160 : i32
          %rem3A_165 = arith.remsi %scan3A_135, %select_n3A_164 : i32
          %ne3A_166 = arith.constant 0 : i32
          %ne3A_167 = arith.cmpi ne, %rem3A_165, %ne3A_166 : i32
          %lt3A_168 = arith.constant 0 : i32
          %lt3A_169 = arith.cmpi slt, %rem3A_165, %lt3A_168 : i32
          %lt3A_170 = arith.constant 0 : i32
          %lt3A_171 = arith.cmpi slt, %select_n3A_164, %lt3A_170 : i32
          %ne3A_172 = arith.xori %lt3A_169, %lt3A_171 : i1
          %and3A_173 = arith.andi %ne3A_172, %ne3A_167 : i1
          %add3A_174 = arith.addi %rem3A_165, %select_n3A_164 : i32
          %select_n3A_175 = arith.select %and3A_173, %add3A_174, %rem3A_165 : i32
          %mul3A_176 = arith.constant 16 : i32
          %mul3A_177 = arith.muli %select_n3A_175, %mul3A_176 : i32
          %get3A_178 = arith.index_cast %select_n3A_159 : i32 to index
          %get3A_179 = arith.index_cast %mul3A_177 : i32 to index
          %get3A_180 = tpu.vector_load %arg8[%get3A_178, %get3A_179] {strides = array<i32>} : memref<32x128xi32, #tpu.memory_space<vmem>>, vector<16xi32>,
          %gather3A_181 = tpu.vector_load_idx %arg10[%get3A_180] : memref<100000xi32, #tpu.memory_space<vmem>>[vector<16xi32>], vector<16xi32>,
          %swap3A_182 = arith.index_cast %select_n3A_159 : i32 to index
          %swap3A_183 = arith.index_cast %mul3A_177 : i32 to index
          %swap3A_184 = tpu.vector_load %arg9[%swap3A_182, %swap3A_183] {strides = array<i32>} : memref<32x128xi32, #tpu.memory_space<vmem>>, vector<16xi32>,
          tpu.vector_store %arg9[%swap3A_182, %swap3A_183], %gather3A_181 {strides = array<i32>} : memref<32x128xi32, #tpu.memory_space<vmem>>, vector<16xi32>,
          %scan3A_185 = arith.constant 2 : i32
          %scan3A_186 = arith.addi %scan3A_96, %scan3A_185 : i32
          %jit3A_187 = arith.constant 8 : i32
          %div3A_188 = arith.divsi %scan3A_186, %jit3A_187 : i32
          %sign3A_189 = arith.constant 0 : i32
          %sign3A_190 = arith.cmpi sgt, %scan3A_186, %sign3A_189 : i32
          %sign3A_191 = arith.extui %sign3A_190 : i1 to i32
          %sign3A_192 = arith.constant 0 : i32
          %sign3A_193 = arith.cmpi slt, %scan3A_186, %sign3A_192 : i32
          %sign3A_194 = arith.extui %sign3A_193 : i1 to i32
          %sign3A_195 = arith.subi %sign3A_191, %sign3A_194 : i32
          %sign3A_196 = arith.constant 0 : i32
          %sign3A_197 = arith.cmpi sgt, %jit3A_187, %sign3A_196 : i32
          %sign3A_198 = arith.extui %sign3A_197 : i1 to i32
          %sign3A_199 = arith.constant 0 : i32
          %sign3A_200 = arith.cmpi slt, %jit3A_187, %sign3A_199 : i32
          %sign3A_201 = arith.extui %sign3A_200 : i1 to i32
          %sign3A_202 = arith.subi %sign3A_198, %sign3A_201 : i32
          %ne3A_203 = arith.cmpi ne, %sign3A_195, %sign3A_202 : i32
          %rem3A_204 = arith.remsi %scan3A_186, %jit3A_187 : i32
          %ne3A_205 = arith.constant 0 : i32
          %ne3A_206 = arith.cmpi ne, %rem3A_204, %ne3A_205 : i32
          %and3A_207 = arith.andi %ne3A_203, %ne3A_206 : i1
          %sub3A_208 = arith.constant 1 : i32
          %sub3A_209 = arith.subi %div3A_188, %sub3A_208 : i32
          %select_n3A_210 = arith.select %and3A_207, %sub3A_209, %div3A_188 : i32
          %jit3A_211 = arith.constant 8 : i32
          %eq3A_212 = arith.constant 0 : i32
          %eq3A_213 = arith.cmpi eq, %jit3A_211, %eq3A_212 : i32
          %jit3A_214 = arith.constant 1 : i32
          %select_n3A_215 = arith.select %eq3A_213, %jit3A_214, %jit3A_211 : i32
          %rem3A_216 = arith.remsi %scan3A_186, %select_n3A_215 : i32
          %ne3A_217 = arith.constant 0 : i32
          %ne3A_218 = arith.cmpi ne, %rem3A_216, %ne3A_217 : i32
          %lt3A_219 = arith.constant 0 : i32
          %lt3A_220 = arith.cmpi slt, %rem3A_216, %lt3A_219 : i32
          %lt3A_221 = arith.constant 0 : i32
          %lt3A_222 = arith.cmpi slt, %select_n3A_215, %lt3A_221 : i32
          %ne3A_223 = arith.xori %lt3A_220, %lt3A_222 : i1
          %and3A_224 = arith.andi %ne3A_223, %ne3A_218 : i1
          %add3A_225 = arith.addi %rem3A_216, %select_n3A_215 : i32
          %select_n3A_226 = arith.select %and3A_224, %add3A_225, %rem3A_216 : i32
          %mul3A_227 = arith.constant 16 : i32
          %mul3A_228 = arith.muli %select_n3A_226, %mul3A_227 : i32
          %get3A_229 = arith.index_cast %select_n3A_210 : i32 to index
          %get3A_230 = arith.index_cast %mul3A_228 : i32 to index
          %get3A_231 = tpu.vector_load %arg8[%get3A_229, %get3A_230] {strides = array<i32>} : memref<32x128xi32, #tpu.memory_space<vmem>>, vector<16xi32>,
          %gather3A_232 = tpu.vector_load_idx %arg10[%get3A_231] : memref<100000xi32, #tpu.memory_space<vmem>>[vector<16xi32>], vector<16xi32>,
          %swap3A_233 = arith.index_cast %select_n3A_210 : i32 to index
          %swap3A_234 = arith.index_cast %mul3A_228 : i32 to index
          %swap3A_235 = tpu.vector_load %arg9[%swap3A_233, %swap3A_234] {strides = array<i32>} : memref<32x128xi32, #tpu.memory_space<vmem>>, vector<16xi32>,
          tpu.vector_store %arg9[%swap3A_233, %swap3A_234], %gather3A_232 {strides = array<i32>} : memref<32x128xi32, #tpu.memory_space<vmem>>, vector<16xi32>,
          %scan3A_236 = arith.constant 3 : i32
          %scan3A_237 = arith.addi %scan3A_96, %scan3A_236 : i32
          %jit3A_238 = arith.constant 8 : i32
          %div3A_239 = arith.divsi %scan3A_237, %jit3A_238 : i32
          %sign3A_240 = arith.constant 0 : i32
          %sign3A_241 = arith.cmpi sgt, %scan3A_237, %sign3A_240 : i32
          %sign3A_242 = arith.extui %sign3A_241 : i1 to i32
          %sign3A_243 = arith.constant 0 : i32
          %sign3A_244 = arith.cmpi slt, %scan3A_237, %sign3A_243 : i32
          %sign3A_245 = arith.extui %sign3A_244 : i1 to i32
          %sign3A_246 = arith.subi %sign3A_242, %sign3A_245 : i32
          %sign3A_247 = arith.constant 0 : i32
          %sign3A_248 = arith.cmpi sgt, %jit3A_238, %sign3A_247 : i32
          %sign3A_249 = arith.extui %sign3A_248 : i1 to i32
          %sign3A_250 = arith.constant 0 : i32
          %sign3A_251 = arith.cmpi slt, %jit3A_238, %sign3A_250 : i32
          %sign3A_252 = arith.extui %sign3A_251 : i1 to i32
          %sign3A_253 = arith.subi %sign3A_249, %sign3A_252 : i32
          %ne3A_254 = arith.cmpi ne, %sign3A_246, %sign3A_253 : i32
          %rem3A_255 = arith.remsi %scan3A_237, %jit3A_238 : i32
          %ne3A_256 = arith.constant 0 : i32
          %ne3A_257 = arith.cmpi ne, %rem3A_255, %ne3A_256 : i32
          %and3A_258 = arith.andi %ne3A_254, %ne3A_257 : i1
          %sub3A_259 = arith.constant 1 : i32
          %sub3A_260 = arith.subi %div3A_239, %sub3A_259 : i32
          %select_n3A_261 = arith.select %and3A_258, %sub3A_260, %div3A_239 : i32
          %jit3A_262 = arith.constant 8 : i32
          %eq3A_263 = arith.constant 0 : i32
          %eq3A_264 = arith.cmpi eq, %jit3A_262, %eq3A_263 : i32
          %jit3A_265 = arith.constant 1 : i32
          %select_n3A_266 = arith.select %eq3A_264, %jit3A_265, %jit3A_262 : i32
          %rem3A_267 = arith.remsi %scan3A_237, %select_n3A_266 : i32
          %ne3A_268 = arith.constant 0 : i32
          %ne3A_269 = arith.cmpi ne, %rem3A_267, %ne3A_268 : i32
          %lt3A_270 = arith.constant 0 : i32
          %lt3A_271 = arith.cmpi slt, %rem3A_267, %lt3A_270 : i32
          %lt3A_272 = arith.constant 0 : i32
          %lt3A_273 = arith.cmpi slt, %select_n3A_266, %lt3A_272 : i32
          %ne3A_274 = arith.xori %lt3A_271, %lt3A_273 : i1
          %and3A_275 = arith.andi %ne3A_274, %ne3A_269 : i1
          %add3A_276 = arith.addi %rem3A_267, %select_n3A_266 : i32
          %select_n3A_277 = arith.select %and3A_275, %add3A_276, %rem3A_267 : i32
          %mul3A_278 = arith.constant 16 : i32
          %mul3A_279 = arith.muli %select_n3A_277, %mul3A_278 : i32
          %get3A_280 = arith.index_cast %select_n3A_261 : i32 to index
          %get3A_281 = arith.index_cast %mul3A_279 : i32 to index
          %get3A_282 = tpu.vector_load %arg8[%get3A_280, %get3A_281] {strides = array<i32>} : memref<32x128xi32, #tpu.memory_space<vmem>>, vector<16xi32>,
          %gather3A_283 = tpu.vector_load_idx %arg10[%get3A_282] : memref<100000xi32, #tpu.memory_space<vmem>>[vector<16xi32>], vector<16xi32>,
          %swap3A_284 = arith.index_cast %select_n3A_261 : i32 to index
          %swap3A_285 = arith.index_cast %mul3A_279 : i32 to index
          %swap3A_286 = tpu.vector_load %arg9[%swap3A_284, %swap3A_285] {strides = array<i32>} : memref<32x128xi32, #tpu.memory_space<vmem>>, vector<16xi32>,
          tpu.vector_store %arg9[%swap3A_284, %swap3A_285], %gather3A_283 {strides = array<i32>} : memref<32x128xi32, #tpu.memory_space<vmem>>, vector<16xi32>,
          %scan3A_287 = arith.constant 4 : i32
          %scan3A_288 = arith.addi %scan3A_96, %scan3A_287 : i32
          %jit3A_289 = arith.constant 8 : i32
          %div3A_290 = arith.divsi %scan3A_288, %jit3A_289 : i32
          %sign3A_291 = arith.constant 0 : i32
          %sign3A_292 = arith.cmpi sgt, %scan3A_288, %sign3A_291 : i32
          %sign3A_293 = arith.extui %sign3A_292 : i1 to i32
          %sign3A_294 = arith.constant 0 : i32
          %sign3A_295 = arith.cmpi slt, %scan3A_288, %sign3A_294 : i32
          %sign3A_296 = arith.extui %sign3A_295 : i1 to i32
          %sign3A_297 = arith.subi %sign3A_293, %sign3A_296 : i32
          %sign3A_298 = arith.constant 0 : i32
          %sign3A_299 = arith.cmpi sgt, %jit3A_289, %sign3A_298 : i32
          %sign3A_300 = arith.extui %sign3A_299 : i1 to i32
          %sign3A_301 = arith.constant 0 : i32
          %sign3A_302 = arith.cmpi slt, %jit3A_289, %sign3A_301 : i32
          %sign3A_303 = arith.extui %sign3A_302 : i1 to i32
          %sign3A_304 = arith.subi %sign3A_300, %sign3A_303 : i32
          %ne3A_305 = arith.cmpi ne, %sign3A_297, %sign3A_304 : i32
          %rem3A_306 = arith.remsi %scan3A_288, %jit3A_289 : i32
          %ne3A_307 = arith.constant 0 : i32
          %ne3A_308 = arith.cmpi ne, %rem3A_306, %ne3A_307 : i32
          %and3A_309 = arith.andi %ne3A_305, %ne3A_308 : i1
          %sub3A_310 = arith.constant 1 : i32
          %sub3A_311 = arith.subi %div3A_290, %sub3A_310 : i32
          %select_n3A_312 = arith.select %and3A_309, %sub3A_311, %div3A_290 : i32
          %jit3A_313 = arith.constant 8 : i32
          %eq3A_314 = arith.constant 0 : i32
          %eq3A_315 = arith.cmpi eq, %jit3A_313, %eq3A_314 : i32
          %jit3A_316 = arith.constant 1 : i32
          %select_n3A_317 = arith.select %eq3A_315, %jit3A_316, %jit3A_313 : i32
          %rem3A_318 = arith.remsi %scan3A_288, %select_n3A_317 : i32
          %ne3A_319 = arith.constant 0 : i32
          %ne3A_320 = arith.cmpi ne, %rem3A_318, %ne3A_319 : i32
          %lt3A_321 = arith.constant 0 : i32
          %lt3A_322 = arith.cmpi slt, %rem3A_318, %lt3A_321 : i32
          %lt3A_323 = arith.constant 0 : i32
          %lt3A_324 = arith.cmpi slt, %select_n3A_317, %lt3A_323 : i32
          %ne3A_325 = arith.xori %lt3A_322, %lt3A_324 : i1
          %and3A_326 = arith.andi %ne3A_325, %ne3A_320 : i1
          %add3A_327 = arith.addi %rem3A_318, %select_n3A_317 : i32
          %select_n3A_328 = arith.select %and3A_326, %add3A_327, %rem3A_318 : i32
          %mul3A_329 = arith.constant 16 : i32
          %mul3A_330 = arith.muli %select_n3A_328, %mul3A_329 : i32
          %get3A_331 = arith.index_cast %select_n3A_312 : i32 to index
          %get3A_332 = arith.index_cast %mul3A_330 : i32 to index
          %get3A_333 = tpu.vector_load %arg8[%get3A_331, %get3A_332] {strides = array<i32>} : memref<32x128xi32, #tpu.memory_space<vmem>>, vector<16xi32>,
          %gather3A_334 = tpu.vector_load_idx %arg10[%get3A_333] : memref<100000xi32, #tpu.memory_space<vmem>>[vector<16xi32>], vector<16xi32>,
          %swap3A_335 = arith.index_cast %select_n3A_312 : i32 to index
          %swap3A_336 = arith.index_cast %mul3A_330 : i32 to index
          %swap3A_337 = tpu.vector_load %arg9[%swap3A_335, %swap3A_336] {strides = array<i32>} : memref<32x128xi32, #tpu.memory_space<vmem>>, vector<16xi32>,
          tpu.vector_store %arg9[%swap3A_335, %swap3A_336], %gather3A_334 {strides = array<i32>} : memref<32x128xi32, #tpu.memory_space<vmem>>, vector<16xi32>,
          %scan3A_338 = arith.constant 5 : i32
          %scan3A_339 = arith.addi %scan3A_96, %scan3A_338 : i32
          %jit3A_340 = arith.constant 8 : i32
          %div3A_341 = arith.divsi %scan3A_339, %jit3A_340 : i32
          %sign3A_342 = arith.constant 0 : i32
          %sign3A_343 = arith.cmpi sgt, %scan3A_339, %sign3A_342 : i32
          %sign3A_344 = arith.extui %sign3A_343 : i1 to i32
          %sign3A_345 = arith.constant 0 : i32
          %sign3A_346 = arith.cmpi slt, %scan3A_339, %sign3A_345 : i32
          %sign3A_347 = arith.extui %sign3A_346 : i1 to i32
          %sign3A_348 = arith.subi %sign3A_344, %sign3A_347 : i32
          %sign3A_349 = arith.constant 0 : i32
          %sign3A_350 = arith.cmpi sgt, %jit3A_340, %sign3A_349 : i32
          %sign3A_351 = arith.extui %sign3A_350 : i1 to i32
          %sign3A_352 = arith.constant 0 : i32
          %sign3A_353 = arith.cmpi slt, %jit3A_340, %sign3A_352 : i32
          %sign3A_354 = arith.extui %sign3A_353 : i1 to i32
          %sign3A_355 = arith.subi %sign3A_351, %sign3A_354 : i32
          %ne3A_356 = arith.cmpi ne, %sign3A_348, %sign3A_355 : i32
          %rem3A_357 = arith.remsi %scan3A_339, %jit3A_340 : i32
          %ne3A_358 = arith.constant 0 : i32
          %ne3A_359 = arith.cmpi ne, %rem3A_357, %ne3A_358 : i32
          %and3A_360 = arith.andi %ne3A_356, %ne3A_359 : i1
          %sub3A_361 = arith.constant 1 : i32
          %sub3A_362 = arith.subi %div3A_341, %sub3A_361 : i32
          %select_n3A_363 = arith.select %and3A_360, %sub3A_362, %div3A_341 : i32
          %jit3A_364 = arith.constant 8 : i32
          %eq3A_365 = arith.constant 0 : i32
          %eq3A_366 = arith.cmpi eq, %jit3A_364, %eq3A_365 : i32
          %jit3A_367 = arith.constant 1 : i32
          %select_n3A_368 = arith.select %eq3A_366, %jit3A_367, %jit3A_364 : i32
          %rem3A_369 = arith.remsi %scan3A_339, %select_n3A_368 : i32
          %ne3A_370 = arith.constant 0 : i32
          %ne3A_371 = arith.cmpi ne, %rem3A_369, %ne3A_370 : i32
          %lt3A_372 = arith.constant 0 : i32
          %lt3A_373 = arith.cmpi slt, %rem3A_369, %lt3A_372 : i32
          %lt3A_374 = arith.constant 0 : i32
          %lt3A_375 = arith.cmpi slt, %select_n3A_368, %lt3A_374 : i32
          %ne3A_376 = arith.xori %lt3A_373, %lt3A_375 : i1
          %and3A_377 = arith.andi %ne3A_376, %ne3A_371 : i1
          %add3A_378 = arith.addi %rem3A_369, %select_n3A_368 : i32
          %select_n3A_379 = arith.select %and3A_377, %add3A_378, %rem3A_369 : i32
          %mul3A_380 = arith.constant 16 : i32
          %mul3A_381 = arith.muli %select_n3A_379, %mul3A_380 : i32
          %get3A_382 = arith.index_cast %select_n3A_363 : i32 to index
          %get3A_383 = arith.index_cast %mul3A_381 : i32 to index
          %get3A_384 = tpu.vector_load %arg8[%get3A_382, %get3A_383] {strides = array<i32>} : memref<32x128xi32, #tpu.memory_space<vmem>>, vector<16xi32>,
          %gather3A_385 = tpu.vector_load_idx %arg10[%get3A_384] : memref<100000xi32, #tpu.memory_space<vmem>>[vector<16xi32>], vector<16xi32>,
          %swap3A_386 = arith.index_cast %select_n3A_363 : i32 to index
          %swap3A_387 = arith.index_cast %mul3A_381 : i32 to index
          %swap3A_388 = tpu.vector_load %arg9[%swap3A_386, %swap3A_387] {strides = array<i32>} : memref<32x128xi32, #tpu.memory_space<vmem>>, vector<16xi32>,
          tpu.vector_store %arg9[%swap3A_386, %swap3A_387], %gather3A_385 {strides = array<i32>} : memref<32x128xi32, #tpu.memory_space<vmem>>, vector<16xi32>,
          %scan3A_389 = arith.constant 6 : i32
          %scan3A_390 = arith.addi %scan3A_96, %scan3A_389 : i32
          %jit3A_391 = arith.constant 8 : i32
          %div3A_392 = arith.divsi %scan3A_390, %jit3A_391 : i32
          %sign3A_393 = arith.constant 0 : i32
          %sign3A_394 = arith.cmpi sgt, %scan3A_390, %sign3A_393 : i32
          %sign3A_395 = arith.extui %sign3A_394 : i1 to i32
          %sign3A_396 = arith.constant 0 : i32
          %sign3A_397 = arith.cmpi slt, %scan3A_390, %sign3A_396 : i32
          %sign3A_398 = arith.extui %sign3A_397 : i1 to i32
          %sign3A_399 = arith.subi %sign3A_395, %sign3A_398 : i32
          %sign3A_400 = arith.constant 0 : i32
          %sign3A_401 = arith.cmpi sgt, %jit3A_391, %sign3A_400 : i32
          %sign3A_402 = arith.extui %sign3A_401 : i1 to i32
          %sign3A_403 = arith.constant 0 : i32
          %sign3A_404 = arith.cmpi slt, %jit3A_391, %sign3A_403 : i32
          %sign3A_405 = arith.extui %sign3A_404 : i1 to i32
          %sign3A_406 = arith.subi %sign3A_402, %sign3A_405 : i32
          %ne3A_407 = arith.cmpi ne, %sign3A_399, %sign3A_406 : i32
          %rem3A_408 = arith.remsi %scan3A_390, %jit3A_391 : i32
          %ne3A_409 = arith.constant 0 : i32
          %ne3A_410 = arith.cmpi ne, %rem3A_408, %ne3A_409 : i32
          %and3A_411 = arith.andi %ne3A_407, %ne3A_410 : i1
          %sub3A_412 = arith.constant 1 : i32
          %sub3A_413 = arith.subi %div3A_392, %sub3A_412 : i32
          %select_n3A_414 = arith.select %and3A_411, %sub3A_413, %div3A_392 : i32
          %jit3A_415 = arith.constant 8 : i32
          %eq3A_416 = arith.constant 0 : i32
          %eq3A_417 = arith.cmpi eq, %jit3A_415, %eq3A_416 : i32
          %jit3A_418 = arith.constant 1 : i32
          %select_n3A_419 = arith.select %eq3A_417, %jit3A_418, %jit3A_415 : i32
          %rem3A_420 = arith.remsi %scan3A_390, %select_n3A_419 : i32
          %ne3A_421 = arith.constant 0 : i32
          %ne3A_422 = arith.cmpi ne, %rem3A_420, %ne3A_421 : i32
          %lt3A_423 = arith.constant 0 : i32
          %lt3A_424 = arith.cmpi slt, %rem3A_420, %lt3A_423 : i32
          %lt3A_425 = arith.constant 0 : i32
          %lt3A_426 = arith.cmpi slt, %select_n3A_419, %lt3A_425 : i32
          %ne3A_427 = arith.xori %lt3A_424, %lt3A_426 : i1
          %and3A_428 = arith.andi %ne3A_427, %ne3A_422 : i1
          %add3A_429 = arith.addi %rem3A_420, %select_n3A_419 : i32
          %select_n3A_430 = arith.select %and3A_428, %add3A_429, %rem3A_420 : i32
          %mul3A_431 = arith.constant 16 : i32
          %mul3A_432 = arith.muli %select_n3A_430, %mul3A_431 : i32
          %get3A_433 = arith.index_cast %select_n3A_414 : i32 to index
          %get3A_434 = arith.index_cast %mul3A_432 : i32 to index
          %get3A_435 = tpu.vector_load %arg8[%get3A_433, %get3A_434] {strides = array<i32>} : memref<32x128xi32, #tpu.memory_space<vmem>>, vector<16xi32>,
          %gather3A_436 = tpu.vector_load_idx %arg10[%get3A_435] : memref<100000xi32, #tpu.memory_space<vmem>>[vector<16xi32>], vector<16xi32>,
          %swap3A_437 = arith.index_cast %select_n3A_414 : i32 to index
          %swap3A_438 = arith.index_cast %mul3A_432 : i32 to index
          %swap3A_439 = tpu.vector_load %arg9[%swap3A_437, %swap3A_438] {strides = array<i32>} : memref<32x128xi32, #tpu.memory_space<vmem>>, vector<16xi32>,
          tpu.vector_store %arg9[%swap3A_437, %swap3A_438], %gather3A_436 {strides = array<i32>} : memref<32x128xi32, #tpu.memory_space<vmem>>, vector<16xi32>,
          %scan3A_440 = arith.constant 7 : i32
          %scan3A_441 = arith.addi %scan3A_96, %scan3A_440 : i32
          %jit3A_442 = arith.constant 8 : i32
          %div3A_443 = arith.divsi %scan3A_441, %jit3A_442 : i32
          %sign3A_444 = arith.constant 0 : i32
          %sign3A_445 = arith.cmpi sgt, %scan3A_441, %sign3A_444 : i32
          %sign3A_446 = arith.extui %sign3A_445 : i1 to i32
          %sign3A_447 = arith.constant 0 : i32
          %sign3A_448 = arith.cmpi slt, %scan3A_441, %sign3A_447 : i32
          %sign3A_449 = arith.extui %sign3A_448 : i1 to i32
          %sign3A_450 = arith.subi %sign3A_446, %sign3A_449 : i32
          %sign3A_451 = arith.constant 0 : i32
          %sign3A_452 = arith.cmpi sgt, %jit3A_442, %sign3A_451 : i32
          %sign3A_453 = arith.extui %sign3A_452 : i1 to i32
          %sign3A_454 = arith.constant 0 : i32
          %sign3A_455 = arith.cmpi slt, %jit3A_442, %sign3A_454 : i32
          %sign3A_456 = arith.extui %sign3A_455 : i1 to i32
          %sign3A_457 = arith.subi %sign3A_453, %sign3A_456 : i32
          %ne3A_458 = arith.cmpi ne, %sign3A_450, %sign3A_457 : i32
          %rem3A_459 = arith.remsi %scan3A_441, %jit3A_442 : i32
          %ne3A_460 = arith.constant 0 : i32
          %ne3A_461 = arith.cmpi ne, %rem3A_459, %ne3A_460 : i32
          %and3A_462 = arith.andi %ne3A_458, %ne3A_461 : i1
          %sub3A_463 = arith.constant 1 : i32
          %sub3A_464 = arith.subi %div3A_443, %sub3A_463 : i32
          %select_n3A_465 = arith.select %and3A_462, %sub3A_464, %div3A_443 : i32
          %jit3A_466 = arith.constant 8 : i32
          %eq3A_467 = arith.constant 0 : i32
          %eq3A_468 = arith.cmpi eq, %jit3A_466, %eq3A_467 : i32
          %jit3A_469 = arith.constant 1 : i32
          %select_n3A_470 = arith.select %eq3A_468, %jit3A_469, %jit3A_466 : i32
          %rem3A_471 = arith.remsi %scan3A_441, %select_n3A_470 : i32
          %ne3A_472 = arith.constant 0 : i32
          %ne3A_473 = arith.cmpi ne, %rem3A_471, %ne3A_472 : i32
          %lt3A_474 = arith.constant 0 : i32
          %lt3A_475 = arith.cmpi slt, %rem3A_471, %lt3A_474 : i32
          %lt3A_476 = arith.constant 0 : i32
          %lt3A_477 = arith.cmpi slt, %select_n3A_470, %lt3A_476 : i32
          %ne3A_478 = arith.xori %lt3A_475, %lt3A_477 : i1
          %and3A_479 = arith.andi %ne3A_478, %ne3A_473 : i1
          %add3A_480 = arith.addi %rem3A_471, %select_n3A_470 : i32
          %select_n3A_481 = arith.select %and3A_479, %add3A_480, %rem3A_471 : i32
          %mul3A_482 = arith.constant 16 : i32
          %mul3A_483 = arith.muli %select_n3A_481, %mul3A_482 : i32
          %get3A_484 = arith.index_cast %select_n3A_465 : i32 to index
          %get3A_485 = arith.index_cast %mul3A_483 : i32 to index
          %get3A_486 = tpu.vector_load %arg8[%get3A_484, %get3A_485] {strides = array<i32>} : memref<32x128xi32, #tpu.memory_space<vmem>>, vector<16xi32>,
          %gather3A_487 = tpu.vector_load_idx %arg10[%get3A_486] : memref<100000xi32, #tpu.memory_space<vmem>>[vector<16xi32>], vector<16xi32>,
          %swap3A_488 = arith.index_cast %select_n3A_465 : i32 to index
          %swap3A_489 = arith.index_cast %mul3A_483 : i32 to index
          %swap3A_490 = tpu.vector_load %arg9[%swap3A_488, %swap3A_489] {strides = array<i32>} : memref<32x128xi32, #tpu.memory_space<vmem>>, vector<16xi32>,
          tpu.vector_store %arg9[%swap3A_488, %swap3A_489], %gather3A_487 {strides = array<i32>} : memref<32x128xi32, #tpu.memory_space<vmem>>, vector<16xi32>,
        }
        %scan3A_93 = arith.constant 256 : i32
        %mul3A_94 = arith.constant 32 : i32
        %mul3A_95 = arith.muli %scan3A_86, %mul3A_94 : i32
        "tpu.region"() ({
          %run_scoped3A = tpu.sem_alloc : memref<!tpu.dma_semaphore, #tpu.memory_space<semaphore_mem>>
          %dma_start3A_96 = arith.constant 0 : i32
          %dma_start3A_97 = tpu.memref_slice %arg5[%mul3A_95, %dma_start3A_96] : memref<128x128xi32, #tpu.memory_space<hbm>> -> memref<32x128xi32, #tpu.memory_space<hbm>>
          %dma_start3A_98 = arith.constant 0 : i32
          %dma_start3A_99 = tpu.memref_slice %arg5[%mul3A_95, %dma_start3A_98] : memref<128x128xi32, #tpu.memory_space<hbm>> -> memref<32x128xi32, #tpu.memory_space<hbm>>
          tpu.enqueue_dma source(%arg9 : memref<32x128xi32, #tpu.memory_space<vmem>>) target(%dma_start3A_99 : memref<32x128xi32, #tpu.memory_space<hbm>>) target_semaphore(%run_scoped3A : memref<!tpu.dma_semaphore, #tpu.memory_space<semaphore_mem>>)
          %dma_wait3A_100 = arith.constant 0 : i32
          %dma_wait3A_101 = tpu.memref_slice %arg5[%mul3A_95, %dma_wait3A_100] : memref<128x128xi32, #tpu.memory_space<hbm>> -> memref<32x128xi32, #tpu.memory_space<hbm>>
          %dma_wait3A_102 = arith.constant 0 : i32
          %dma_wait3A_103 = tpu.memref_slice %arg5[%mul3A_95, %dma_wait3A_102] : memref<128x128xi32, #tpu.memory_space<hbm>> -> memref<32x128xi32, #tpu.memory_space<hbm>>
          tpu.wait_dma2 semaphore(%run_scoped3A : memref<!tpu.dma_semaphore, #tpu.memory_space<semaphore_mem>>) src(%arg9 : memref<32x128xi32, #tpu.memory_space<vmem>>) dst(%dma_wait3A_103 : memref<32x128xi32, #tpu.memory_space<hbm>>)
          tpu.yield
        }) : () -> ()
      }
      %scan3A_85 = arith.constant 4 : i32
    } else {
    }
    return
  }
}

module attributes {stable_mosaic.version = 14 : i64} {
  func.func @_gru_body(%arg0: i32, %arg1: memref<2048x128xf32, #tpu.memory_space<vmem>>, %arg2: memref<2048x128xf32, #tpu.memory_space<vmem>>, %arg3: memref<384x128xf32, #tpu.memory_space<vmem>>, %arg4: memref<384x128xf32, #tpu.memory_space<vmem>>, %arg5: memref<1x384xf32, #tpu.memory_space<vmem>>, %arg6: memref<1x384xf32, #tpu.memory_space<vmem>>, %arg7: memref<2048x128xf32, #tpu.memory_space<vmem>>) attributes {dimension_semantics = [#tpu.dimension_semantics<arbitrary>], iteration_bounds = array<i64: 8>, scalar_prefetch = 0 : i64, scratch_operands = 0 : i64, tpu.core_type = #tpu.core_type<tc>, window_params = [{transform_indices = @transform_0, window_bounds = array<i64: 2048, 128>}, {transform_indices = @transform_1, window_bounds = array<i64: 2048, 128>}, {pipeline_mode = #tpu.pipeline_mode<synchronous>, transform_indices = @transform_2, window_bounds = array<i64: 384, 128>}, {pipeline_mode = #tpu.pipeline_mode<synchronous>, transform_indices = @transform_3, window_bounds = array<i64: 384, 128>}, {pipeline_mode = #tpu.pipeline_mode<synchronous>, transform_indices = @transform_4, window_bounds = array<i64: 1, 384>}, {pipeline_mode = #tpu.pipeline_mode<synchronous>, transform_indices = @transform_5, window_bounds = array<i64: 1, 384>}, {transform_indices = @transform_6, window_bounds = array<i64: 2048, 128>}]} {
    %get3A = arith.constant 0 : index
    %get3A_0 = arith.constant 0 : index
    %get3A_1 = vector.load %arg1[%get3A, %get3A_0] : memref<2048x128xf32, #tpu.memory_space<vmem>>, vector<2048x128xf32>
    %get3A_2 = arith.constant 0 : index
    %get3A_3 = arith.constant 0 : index
    %get3A_4 = vector.load %arg2[%get3A_2, %get3A_3] : memref<2048x128xf32, #tpu.memory_space<vmem>>, vector<2048x128xf32>
    %get3A_5 = arith.constant 0 : index
    %get3A_6 = arith.constant 0 : index
    %get3A_7 = vector.load %arg3[%get3A_5, %get3A_6] : memref<384x128xf32, #tpu.memory_space<vmem>>, vector<384x128xf32>
    %dot_general3A = arith.constant dense<0.000000e+00> : vector<2048x384xf32>
    %dot_general3A_8 = tpu.matmul %get3A_1, %get3A_7, %dot_general3A {dimension_numbers = #tpu.dot_dimension_numbers<[1], [1], [0], [0], [0, 0, 1, 0], [], []>, transpose_lhs_hint = false} : vector<2048x128xf32>, vector<384x128xf32>, vector<2048x384xf32> -> vector<2048x384xf32>
    %get3A_9 = arith.constant 0 : index
    %get3A_10 = arith.constant 0 : index
    %get3A_11 = vector.load %arg5[%get3A_9, %get3A_10] : memref<1x384xf32, #tpu.memory_space<vmem>>, vector<1x384xf32>
    %add3A = vector.broadcast %get3A_11 : vector<1x384xf32> to vector<2048x384xf32>
    %add3A_12 = arith.addf %dot_general3A_8, %add3A : vector<2048x384xf32>
    %get3A_13 = arith.constant 0 : index
    %get3A_14 = arith.constant 0 : index
    %get3A_15 = vector.load %arg4[%get3A_13, %get3A_14] : memref<384x128xf32, #tpu.memory_space<vmem>>, vector<384x128xf32>
    %dot_general3A_16 = arith.constant dense<0.000000e+00> : vector<2048x384xf32>
    %dot_general3A_17 = tpu.matmul %get3A_4, %get3A_15, %dot_general3A_16 {dimension_numbers = #tpu.dot_dimension_numbers<[1], [1], [0], [0], [0, 0, 1, 0], [], []>, transpose_lhs_hint = false} : vector<2048x128xf32>, vector<384x128xf32>, vector<2048x384xf32> -> vector<2048x384xf32>
    %get3A_18 = arith.constant 0 : index
    %get3A_19 = arith.constant 0 : index
    %get3A_20 = vector.load %arg6[%get3A_18, %get3A_19] : memref<1x384xf32, #tpu.memory_space<vmem>>, vector<1x384xf32>
    %add3A_21 = vector.broadcast %get3A_20 : vector<1x384xf32> to vector<2048x384xf32>
    %add3A_22 = arith.addf %dot_general3A_17, %add3A_21 : vector<2048x384xf32>
    %slice3A = vector.extract_strided_slice %add3A_12 {offsets = [0, 0], sizes = [2048, 128], strides = [1, 1]} : vector<2048x384xf32> to vector<2048x128xf32>
    %slice3A_23 = vector.extract_strided_slice %add3A_22 {offsets = [0, 0], sizes = [2048, 128], strides = [1, 1]} : vector<2048x384xf32> to vector<2048x128xf32>
    %add3A_24 = arith.addf %slice3A, %slice3A_23 : vector<2048x128xf32>
    %logistic3A = arith.negf %add3A_24 : vector<2048x128xf32>
    %logistic3A_25 = math.exp %logistic3A : vector<2048x128xf32>
    %logistic3A_26 = arith.constant 1.000000e+00 : f32
    %logistic3A_27 = vector.broadcast %logistic3A_26 : f32 to vector<2048x128xf32>
    %logistic3A_28 = arith.addf %logistic3A_27, %logistic3A_25 : vector<2048x128xf32>
    %logistic3A_29 = arith.divf %logistic3A_27, %logistic3A_28 : vector<2048x128xf32>
    %slice3A_30 = vector.extract_strided_slice %add3A_12 {offsets = [0, 128], sizes = [2048, 128], strides = [1, 1]} : vector<2048x384xf32> to vector<2048x128xf32>
    %slice3A_31 = vector.extract_strided_slice %add3A_22 {offsets = [0, 128], sizes = [2048, 128], strides = [1, 1]} : vector<2048x384xf32> to vector<2048x128xf32>
    %add3A_32 = arith.addf %slice3A_30, %slice3A_31 : vector<2048x128xf32>
    %logistic3A_33 = arith.negf %add3A_32 : vector<2048x128xf32>
    %logistic3A_34 = math.exp %logistic3A_33 : vector<2048x128xf32>
    %logistic3A_35 = arith.constant 1.000000e+00 : f32
    %logistic3A_36 = vector.broadcast %logistic3A_35 : f32 to vector<2048x128xf32>
    %logistic3A_37 = arith.addf %logistic3A_36, %logistic3A_34 : vector<2048x128xf32>
    %logistic3A_38 = arith.divf %logistic3A_36, %logistic3A_37 : vector<2048x128xf32>
    %slice3A_39 = vector.extract_strided_slice %add3A_12 {offsets = [0, 256], sizes = [2048, 128], strides = [1, 1]} : vector<2048x384xf32> to vector<2048x128xf32>
    %slice3A_40 = vector.extract_strided_slice %add3A_22 {offsets = [0, 256], sizes = [2048, 128], strides = [1, 1]} : vector<2048x384xf32> to vector<2048x128xf32>
    %mul3A = arith.mulf %logistic3A_29, %slice3A_40 : vector<2048x128xf32>
    %add3A_41 = arith.addf %slice3A_39, %mul3A : vector<2048x128xf32>
    %tanh3A = math.tanh %add3A_41 : vector<2048x128xf32>
    %sub3A = arith.constant 1.000000e+00 : f32
    %sub3A_42 = vector.broadcast %sub3A : f32 to vector<2048x128xf32>
    %sub3A_43 = arith.subf %sub3A_42, %logistic3A_38 : vector<2048x128xf32>
    %mul3A_44 = arith.mulf %sub3A_43, %tanh3A : vector<2048x128xf32>
    %mul3A_45 = arith.mulf %logistic3A_38, %get3A_4 : vector<2048x128xf32>
    %add3A_46 = arith.addf %mul3A_44, %mul3A_45 : vector<2048x128xf32>
    %swap3A = arith.constant 0 : index
    %swap3A_47 = arith.constant 0 : index
    %swap3A_48 = vector.load %arg7[%swap3A, %swap3A_47] : memref<2048x128xf32, #tpu.memory_space<vmem>>, vector<2048x128xf32>
    tpu.vector_store %arg7[%swap3A, %swap3A_47], %add3A_46 {strides = array<i32>} : memref<2048x128xf32, #tpu.memory_space<vmem>>, vector<2048x128xf32>,
    return
  }
  func.func @transform_0(%arg0: i32) -> (i32, i32) {
    %c0_i32 = arith.constant 0 : i32
    %c0_i32_0 = arith.constant 0 : i32
    return %arg0, %c0_i32 : i32, i32
  }
  func.func @transform_1(%arg0: i32) -> (i32, i32) {
    %c0_i32 = arith.constant 0 : i32
    %c0_i32_0 = arith.constant 0 : i32
    return %arg0, %c0_i32 : i32, i32
  }
  func.func @transform_2(%arg0: i32) -> (i32, i32) {
    %c0_i32 = arith.constant 0 : i32
    %c0_i32_0 = arith.constant 0 : i32
    %c0_i32_1 = arith.constant 0 : i32
    return %c0_i32, %c0_i32_0 : i32, i32
  }
  func.func @transform_3(%arg0: i32) -> (i32, i32) {
    %c0_i32 = arith.constant 0 : i32
    %c0_i32_0 = arith.constant 0 : i32
    %c0_i32_1 = arith.constant 0 : i32
    return %c0_i32, %c0_i32_0 : i32, i32
  }
  func.func @transform_4(%arg0: i32) -> (i32, i32) {
    %c0_i32 = arith.constant 0 : i32
    %c0_i32_0 = arith.constant 0 : i32
    %c0_i32_1 = arith.constant 0 : i32
    return %c0_i32, %c0_i32_0 : i32, i32
  }
  func.func @transform_5(%arg0: i32) -> (i32, i32) {
    %c0_i32 = arith.constant 0 : i32
    %c0_i32_0 = arith.constant 0 : i32
    %c0_i32_1 = arith.constant 0 : i32
    return %c0_i32, %c0_i32_0 : i32, i32
  }
  func.func @transform_6(%arg0: i32) -> (i32, i32) {
    %c0_i32 = arith.constant 0 : i32
    %c0_i32_0 = arith.constant 0 : i32
    return %arg0, %c0_i32 : i32, i32
  }
}

</mosaic_0001>

<sc_bundles>
// kernel: kernel.5.cloned.1.call-start
scs
__scs_entry_jumppad:
0x0: {  	(pc) =	sbr.rel $0x88, $3  }
0x1: {  	(tag) =	ssettag $0x0;
	lr =	simm.s32 $0x1  }
0x2: {  	[smem:$0x3F9A] =	sst lr;
	_ =	strace $0xD0000000  }
0x3: {  	_ = 	snop  }
0x4: {  	_ = 	snop  }
0x5: {  	_ = 	snop  }
0x6: {  	_ = 	snop  }
0x7: {  	_ = 	snop  }
__scs_overlays_trampoline_lowered:
0x8: {  	[smem:$0x3FA9] =	sst s0  }
0x9: {  	[smem:$0x3FAA] =	sst s1  }
0xa: {  	[smem:$0x3FAB] =	sst s2  }
0xb: {  	[smem:$0x3FAC] =	sst s3  }
0xc: {  	[smem:$0x3FAD] =	sst s4  }
0xd: {  	[smem:$0x3FAE] =	sst s5  }
0xe: {  	[smem:$0x3FAF] =	sst s6  }
0xf: {  	[smem:$0x3FB0] =	sst s7  }
0x10: {  	[smem:$0x3FB1] =	sst s8  }
0x11: {  	[smem:$0x3FB2] =	sst s9;
	s0 =	simm.s32 @!p0 $0x0  }
0x12: {  	s1 =	sld [smem:$0x3F98];
	s0 =	simm.s32 @p0 $0x1  }
0x13: {  	[smem:$0x3FB3] =	sst s0;
	s0 =	simm.s32 @!p1 $0x0  }
0x14: {  	s2 =	sld [smem:$0x3F97];
	s0 =	simm.s32 @p1 $0x1  }
0x15: {  	[smem:$0x3FB4] =	sst s0;
	s0 =	simm.s32 @!p2 $0x0  }
0x16: {  	s3 =	sld [smem:$0x3FDB];
	s0 =	simm.s32 @p2 $0x1  }
0x17: {  	s4 =	simm.s32 $0x1BF5;
	[smem:$0x3FB6] =	sst s0  }
0x18: {  	s0 =	sld [smem:$0x3F99];
	_ =	swait.ge [sflag:s4], $0x0  }
0x19: {  	s7 =	sld [smem:$0x3F9A]  }
0x1a: {  	s8 =	sadd.s32 $0xFFFFE003, lr  }
0x1b: {  	s9 =	sadd.s32 $0xFFFFFEF7, lr;
	s5 =	simm.s32 $0xFFFFFFFF;
	p2 =	slt.u32 s8, $0xFFFFF086  }
0x1c: {  	p1 =	slt.u32 s9, $0xF7A;
	s5 =	simm.s32 @!p2 $0x0  }
0x1d: {  	s5 =	simm.s32 @p1 $0x1;
	p0 =	seq.s32 s7, s2  }
0x1e: {  	s7 =	smul.u32 @!p0 $0xF7A, s2;
	p2 =	seq.s32 @!p0 s5, $0x0  }
0x1f: {  	s9 =	smul.u32 $0xF7A, s1;
	s8 =	simm.s32 @!p0 $0x1BF5;
	p2 =	por !p2, p0  }
0x20: {  	[sflag:s8] =	ssyncset.s32 @!p0 $0xFFFFF086;
	s6 =	sadd.s32 @!p0 s3, s7;
	s7 =	simm.s32 @!p0 $0x108  }
0x21: {  	s3 =	sadd.s32 s3, s9;
	s6 =	sadd.s32 @!p0 $0x88, s6;
	s7 =	simm.s32 @p2 $0x1082  }
0x22: {  	[simem:s7], [sflag:s8] =	dma.local @!p0 [hbm:s6], $0xF7A  }
0x23: {  	s9 =	sor.u32 $0xD0000000, s2;
	s6 =	simm.s32 $0x108;
	_ =	swait.ge @!p0 [sflag:s8], $0x0  }
0x24: {  	s3 =	sadd.s32 $0x88, s3;
	s6 =	simm.s32 @!p1 $0x1082;
	[sflag:s4] =	ssyncset.s32 $0xFFFFF086  }
0x25: {  	[simem:s6], [sflag:s4] =	dma.local [hbm:s3], $0xF7A  }
0x26: {  	[smem:$0x3F9A] =	sst s1;
	(tag) =	ssettag s2;
	_ =	strace s9  }
0x27: {  	s1 =	sld [smem:$0x3FAA]  }
0x28: {  	s2 =	sld [smem:$0x3FAB]  }
0x29: {  	s4 =	sld [smem:$0x3FAD]  }
0x2a: {  	p0 =	seq.s32 s5, $0x0;
	s5 =	sld [smem:$0x3FAE]  }
0x2b: {  	s6 =	sld [smem:$0x3FAF]  }
0x2c: {  	s7 =	sld [smem:$0x3FB0]  }
0x2d: {  	s3 =	simm.s32 $0x108;
	s8 =	sld [smem:$0x3FB1]  }
0x2e: {  	s3 =	simm.s32 @!p0 $0x1082;
	s9 =	sld [smem:$0x3FB2]  }
0x2f: {  	lr =	sadd.s32 s0, s3;
	s0 =	sld [smem:$0x3FA9]  }
0x30: {  	s3 =	sld [smem:$0x3FAC]  }
0x31: {  	[smem:$0x3FB5] =	sst s10  }
0x32: {  	s10 =	sld [smem:$0x3FB3];
	_ =	sdelay $0x3  }
0x33: {  	p0 =	seq.s32 s10, $0x1;
	s10 =	sld [smem:$0x3FB5];
	_ =	sdelay $0x3  }
0x34: {  	[smem:$0x3FB5] =	sst s10  }
0x35: {  	s10 =	sld [smem:$0x3FB4];
	_ =	sdelay $0x3  }
0x36: {  	p1 =	seq.s32 s10, $0x1;
	s10 =	sld [smem:$0x3FB5];
	_ =	sdelay $0x3  }
0x37: {  	[smem:$0x3FB5] =	sst s10  }
0x38: {  	s10 =	sld [smem:$0x3FB6]  }
0x39: {  	_ = 	snop;
	(pc) =	sbr.ind lr, $3  }
0x3a: {  	_ = 	snop  }
0x3b: {  	_ = 	snop  }
0x3c: {  	p2 =	seq.s32 s10, $0x1;
	s10 =	sld [smem:$0x3FB5]  }
0x3d: {  	_ =	shalt  }
0x3e: {  	_ =	shalt  }
0x3f: {  	_ =	shalt  }
0x40: {  	_ =	shalt  }
0x41: {  	_ =	shalt  }
0x42: {  	_ =	shalt  }
0x43: {  	_ =	shalt  }
0x44: {  	_ =	shalt  }
0x45: {  	_ =	shalt  }
0x46: {  	_ =	shalt  }
0x47: {  	_ =	shalt  }
0x48: {  	_ =	shalt  }
0x49: {  	_ =	shalt  }
0x4a: {  	_ =	shalt  }
0x4b: {  	_ =	shalt  }
0x4c: {  	_ =	shalt  }
0x4d: {  	_ =	shalt  }
0x4e: {  	_ =	shalt  }
0x4f: {  	_ =	shalt  }
0x50: {  	_ =	shalt  }
0x51: {  	_ =	shalt  }
0x52: {  	_ =	shalt  }
0x53: {  	_ =	shalt  }
0x54: {  	_ =	shalt  }
0x55: {  	_ =	shalt  }
0x56: {  	_ =	shalt  }
0x57: {  	_ =	shalt  }
0x58: {  	_ =	shalt  }
0x59: {  	_ =	shalt  }
0x5a: {  	_ =	shalt  }
0x5b: {  	_ =	shalt  }
0x5c: {  	_ =	shalt  }
0x5d: {  	_ =	shalt  }
0x5e: {  	_ =	shalt  }
0x5f: {  	_ =	shalt  }
0x60: {  	_ =	shalt  }
0x61: {  	_ =	shalt  }
0x62: {  	_ =	shalt  }
0x63: {  	_ =	shalt  }
0x64: {  	_ =	shalt  }
0x65: {  	_ =	shalt  }
0x66: {  	_ =	shalt  }
0x67: {  	_ =	shalt  }
0x68: {  	_ =	shalt  }
0x69: {  	_ =	shalt  }
0x6a: {  	_ =	shalt  }
0x6b: {  	_ =	shalt  }
0x6c: {  	_ =	shalt  }
0x6d: {  	_ =	shalt  }
0x6e: {  	_ =	shalt  }
0x6f: {  	_ =	shalt  }
0x70: {  	_ =	shalt  }
0x71: {  	_ =	shalt  }
0x72: {  	_ =	shalt  }
0x73: {  	_ =	shalt  }
0x74: {  	_ =	shalt  }
0x75: {  	_ =	shalt  }
0x76: {  	_ =	shalt  }
0x77: {  	_ =	shalt  }
0x78: {  	_ =	shalt  }
0x79: {  	_ =	shalt  }
0x7a: {  	_ =	shalt  }
0x7b: {  	_ =	shalt  }
0x7c: {  	_ =	shalt  }
0x7d: {  	_ =	shalt  }
0x7e: {  	_ =	shalt  }
0x7f: {  	_ =	shalt  }
0x80: {  	_ =	shalt  }
0x81: {  	_ =	shalt  }
0x82: {  	_ =	shalt  }
0x83: {  	_ =	shalt  }
0x84: {  	_ =	shalt  }
0x85: {  	_ =	shalt  }
0x86: {  	_ =	shalt  }
0x87: {  	_ =	shalt  }
.Lfunc_end0:
.L_simem_size_0:
called_computation_lowered:
.L_overlay_start_0:
0x88: {  	s2 =	sld [smem:$0x3FD9]  }
0x89: {  	s3 =	sld [smem:$0x3FFE];
	_ =	sdelay $0x1  }
0x8a: {  	s1 =	srdreg.scid  }
0x8b: {  	s0 =	sand.u32 $0x1, s1  }
0x8c: {  	s17 =	sshll.u32 s0, $0xA;
	s2 =	sadd.s32 s3, s2  }
0x8d: {  	s2 =	sadd.s32 s2, s17  }
0x8e: {  	[smem:$0x3FC1] =	sst s2  }
0x8f: {  	_ = 	snop  }
0x90: {  	s2 =	sld [smem:$0x3FC8]  }
0x91: {  	s18 =	sld [smem:$0x3FD0];
	(tm) =	ssettm $0x1  }
0x92: {  	s4 =	sld [smem:$0x3FFB];
	_ =	sdelay $0x3  }
0x93: {  	_ =	strace s4  }
0x94: {  	s4 =	sld [smem:$0x3FFC];
	_ =	sdelay $0x3  }
0x95: {  	_ =	strace s4  }
0x96: {  	s4 =	sld [smem:$0x3FFD];
	_ =	sdelay $0x3  }
0x97: {  	_ =	strace s4  }
0x98: {  	_ =	strace $0x8FFFFFFF  }
0x99: {  	s19 =	sld [smem:$0x3FDB];
	_ =	sdelay $0x1  }
0x9a: {  	s5 =	simm.s32 $_scs_section_size  }
0x9b: {  	s6 =	simm.s32 $_size__tile_overlayer_lowered;
	s7 =	simm.s32 $_tile_overlayer_lowered  }
0x9c: {  	s22 =	simm.s32 $0x1BFF;
	s21 =	sshll.u32 s7, $0x1;
	s4 =	sadd.s32 s5, s19  }
0x9d: {  	s8 =	simm.s32 $0x0;
	s20 =	sshll.u32 s6, $0x1;
	s6 =	sadd.s32 s21, s4  }
0x9e: {  	[timem:s8], [sflag:s22] =	dma.local [hbm:s6], s20  }
0x9f: {  	_ =	swait.ge [sflag:s22], s20  }
0xa0: {  	s5 =	ssub.s32 $0x0, s20;
	[sflag:s22] =	ssyncset.done $0x0  }
0xa1: {  	[sflag:s22] =	ssyncadd.s32 s5;
	_ =	sdelay $0x1  }
0xa2: {  	s23 =	simm.s32 $0x1B8B  }
0xa3: {  	_ =	swait.ge [sflag:s23], $0x1  }
0xa4: {  	[sflag:s23] =	ssyncset.done $0x0  }
0xa5: {  	s25 =	simm.s32 $0x1B8E;
	s24 =	sld [smem:$0x3FFE];
	[sflag:s23] =	ssyncadd.s32 $0xFFFFFFFF  }
0xa6: {  	s26 =	simm.s32 $execute0_lowered;
	[smem:$0x3FD2] =	sst s25  }
0xa7: {  	s6 =	sshll.u32 s26, $0x1;
	_ =	strace $0x80000046;
	[dreg:$0x1] =	wrdreg $0xFFFFFFFF  }
0xa8: {  	s28 =	simm.s32 $_size_execute0_lowered;
	s4 =	sadd.s32 s4, s6;
	[dreg:$0x0] =	wrdreg $0x0  }
0xa9: {  	s6 =	sshll.u32 s28, $0x1;
	[dreg:$0x2] =	wrdreg s4  }
0xaa: {  	[dreg:$0x3] =	wrdreg s6  }
0xab: {  	[dreg:$0x4] =	wrdreg $0xC0  }
0xac: {  	_ =	task [dreg:s8], $0x5FFFF  }
0xad: {  	[dreg:$0x1] =	wrdreg $0xFFFFFFFF  }
0xae: {  	[dreg:$0x0] =	wrdreg $0x60  }
0xaf: {  	[dreg:$0x2] =	wrdreg s18  }
0xb0: {  	[dreg:$0x3] =	wrdreg s2  }
0xb1: {  	[dreg:$0x4] =	wrdreg s24  }
0xb2: {  	[dreg:$0x5] =	wrdreg $0x9  }
0xb3: {  	_ =	task.clear_ibuf [dreg:s8], $0x6FFFF;
	_ =	strace $0x90000046  }
0xb4: {  	s29 =	simm.s32 $0x9;
	_ =	strace $0x80000048  }
0xb5: {  	_ =	swait.ge [sflag:s29], $0x1  }
0xb6: {  	[sflag:s29] =	ssyncadd.s32 $0xFFFFFFFF  }
0xb7: {  	_ =	strace $0x90000048  }
0xb8: {  	_ =	sfence  }
0xb9: {  	s30 =	sld [smem:$0x0];
	_ =	sdelay $0x2  }
0xba: {  	s31 =	sshll.u32 s1, $0xD;
	s1 =	sshrl.u32 s1, $0x2  }
0xbb: {  	s3 =	sand.u32 $0x4000, s31;
	s1 =	sadd.s32 s1, s30  }
0xbc: {  	s0 =	sor.u32 s3, s0;
	s1 =	sshll.u32 s1, $0x11  }
0xbd: {  	s0 =	sor.u32 s1, s0  }
0xbe: {  	s0 =	sadd.s32 $0x8F2B, s0  }
0xbf: {  	[sflag:s0] =	ssyncadd.remote.s32 $0x1  }
0xc0: {  	_ =	sfence.sel $0xFFFF  }
0xc1: {  	[dreg:$0x0] =	wrdreg $0xFFFFFFFF;
	(pc) =	sbr.abs _section_cstart, $3  }
0xc2: {  	[dreg:$0x1] =	wrdreg $0xFFFFFFFF  }
0xc3: {  	_ =	task.clear_ibuf [dreg:s8], $0x2FFFF;
	_ =	strace $0x9FFFFFFF  }
0xc4: {  	(tm) =	ssettm $0x7FFFFFFF  }
0xc5: {  	_ =	shalt  }
tec
execute0_lowered:
.L_overlay_start_1:
0x0: {  	(tag) =	ssettag $0x1  }
0x1: {  	s1 =	rddreg [dreg:$0x0]  }
0x2: {  	s3 =	rddreg [dreg:$0x1];
	s2 =	srdreg.scid  }
0x3: {  	s0 =	stileid.u32;
	s5 =	rddreg [dreg:$0x2];
	s4 =	simm.s32 $0x0  }
0x4: {  	s13 =	simm.s32 $0x80;
	s14 =	simm.s32 $0x200;
	s15 =	simm.s32 $0x1  }
0x5: {  	s16 =	simm.s32 $0x100;
	s17 =	simm.s32 $0x180;
	s18 =	simm.s32 $0x4200  }
0x6: {  	s19 =	simm.s32 $0x6200;
	s20 =	simm.s32 $0x5200;
	s21 =	simm.s32 $0x0  }
0x7: {  	s6 =	sand.u32 $0x1, s2;
	s7 =	sshll.u32 s0, $0x1;
	s2 =	rddreg [dreg:$0x3]  }
0x8: {  	[smem:$0x7FF] =	sst s4;
	s9 =	sshll.u32 s0, $0x7;
	s12 =	sor.u32 s6, s7  }
0x9: {  	_ =	strace $0x80000047;
	s31 =	ssub.s32 $0x2, s6;
	s6 =	sshll.u32 s6, $0x6  }
.Ltmp0:
0xa: {  	s7 =	sshll.u32 s12, $0xD;
	s8 =	sshrl.u32 s31, $0x1;
	(pc) =	sbr.rel .LBB2_1-.Ltmp0, $4  }
0xb: {  	s6 =	sadd.s32 s3, s6;
	p0 =	sne.s32 s12, $0x1F;
	s12 =	simm.s32 $0x2  }
0xc: {  	s10 =	sadd.s32 s7, s5;
	s5 =	sadd.s32 $0x41E00, s5;
	s11 =	ssub.s32 s31, s8  }
0xd: {  	s6 =	sadd.s32 s9, s6;
	s7 =	sadd.s32 $0x1E00, s10;
	s8 =	sadd.s32 $0x2600, s10  }
0xe: {  	v0 =	vlaneseq.u32;
	s9 =	sadd.s32 $0x2E00, s10;
	s10 =	sadd.s32 $0x3600, s10;
	s11 =	smax.u32 s11, $0x1  }
.LBB2_9:
0xf: {  	s21 =	sadd.s32 $0x1, s21  }
0x10: {  	p1 =	sne.s32 s21, s11  }
.Ltmp1:
0x11: {  	_ = 	snop;
	(pc) =	sbr.rel @!p1 .LBB2_10-.Ltmp1, $1  }
0x12: {  	_ =	sdelay $0x3  }
.LBB2_1:
0x13: {  	[tilespmem:s4], [sflag:$0x2] =	stream.linear.gather [hbm4b:s6+s4], $0x200, $0x38;
	[tilespmem:$0x1E900] =	vst v63  }
0x14: {  	_ =	swait.ge [sflag:s12], $0x200  }
0x15: {  	[sflag:s12] =	ssyncset.done $0x0  }
0x16: {  	[sflag:s12] =	ssyncadd.s32 $0xFFFFFE00  }
0x17: {  	[tilespmem:s14], [sflag:$0x1] =	stream.indirect.gather [hbm4b:s1+s13], $0x80, s4, s13, $0xb8;
	[tilespmem:$0x1E900] =	vst v63  }
0x18: {  	_ =	swait.ge [sflag:s15], $0x4000  }
0x19: {  	[sflag:s15] =	ssyncset.done $0x0  }
0x1a: {  	[sflag:s15] =	ssyncadd.s32 $0xFFFFC000  }
0x1b: {  	[hbm4b:s7+s4] =	stream.linear.scatter [tilespmem:s14], [sflag:$0x2], $0x4000, $0x38;
	[tilespmem:$0x1E900] =	vst v63  }
0x1c: {  	_ =	swait.ge [sflag:s12], $0x4000  }
0x1d: {  	[sflag:s12] =	ssyncset.done $0x0  }
0x1e: {  	[sflag:s12] =	ssyncadd.s32 $0xFFFFC000  }
0x1f: {  	[tilespmem:s14], [sflag:$0x1] =	stream.indirect.gather [hbm4b:s1+s13], $0x80, s13, s13, $0xb8;
	[tilespmem:$0x1E900] =	vst v63  }
0x20: {  	_ =	swait.ge [sflag:s15], $0x4000  }
0x21: {  	[sflag:s15] =	ssyncset.done $0x0  }
0x22: {  	[sflag:s15] =	ssyncadd.s32 $0xFFFFC000  }
0x23: {  	[hbm4b:s8+s4] =	stream.linear.scatter [tilespmem:s14], [sflag:$0x2], $0x4000, $0x38;
	[tilespmem:$0x1E900] =	vst v63  }
0x24: {  	_ =	swait.ge [sflag:s12], $0x4000  }
0x25: {  	[sflag:s12] =	ssyncset.done $0x0  }
0x26: {  	[sflag:s12] =	ssyncadd.s32 $0xFFFFC000  }
0x27: {  	[tilespmem:s14], [sflag:$0x1] =	stream.indirect.gather [hbm4b:s1+s13], $0x80, s16, s13, $0xb8;
	[tilespmem:$0x1E900] =	vst v63  }
0x28: {  	_ =	swait.ge [sflag:s15], $0x4000  }
0x29: {  	[sflag:s15] =	ssyncset.done $0x0  }
0x2a: {  	[sflag:s15] =	ssyncadd.s32 $0xFFFFC000  }
0x2b: {  	[hbm4b:s9+s4] =	stream.linear.scatter [tilespmem:s14], [sflag:$0x2], $0x4000, $0x38;
	[tilespmem:$0x1E900] =	vst v63  }
0x2c: {  	_ =	swait.ge [sflag:s12], $0x4000  }
0x2d: {  	[sflag:s12] =	ssyncset.done $0x0  }
0x2e: {  	[sflag:s12] =	ssyncadd.s32 $0xFFFFC000  }
0x2f: {  	[tilespmem:s14], [sflag:$0x1] =	stream.indirect.gather [hbm4b:s1+s13], $0x80, s17, s13, $0xb8;
	[tilespmem:$0x1E900] =	vst v63  }
0x30: {  	_ =	swait.ge [sflag:s15], $0x4000  }
0x31: {  	[sflag:s15] =	ssyncset.done $0x0  }
.Ltmp2:
0x32: {  	[sflag:s15] =	ssyncadd.s32 $0xFFFFC000;
	(pc) =	sbr.rel @p0 .LBB2_9-.Ltmp2, $4  }
0x33: {  	[hbm4b:s10+s4] =	stream.linear.scatter [tilespmem:s14], [sflag:$0x2], $0x4000, $0x38;
	[tilespmem:$0x1E900] =	vst v63  }
0x34: {  	_ =	swait.ge [sflag:s12], $0x4000  }
0x35: {  	[sflag:s12] =	ssyncset.done $0x0  }
0x36: {  	s22 =	simm.s32 $0x70;
	s23 =	simm.s32 $0x0;
	[sflag:s12] =	ssyncadd.s32 $0xFFFFC000  }
.LBB2_2:
0x37: {  	s24 =	sshll.u32 s23, $0x9  }
0x38: {  	s24 =	sadd.s32 s3, s24  }
0x39: {  	[tilespmem:s18], [sflag:$0x2] =	stream.linear.gather [hbm4b:s24+s4], $0x1000, $0x38;
	[tilespmem:$0x1E900] =	vst v63  }
0x3a: {  	_ =	swait.ge [sflag:s12], $0x1000  }
0x3b: {  	s25 =	simm.s32 $0x4240;
	[sflag:s12] =	ssyncset.done $0x0  }
0x3c: {  	s26 =	smov.u32 s22;
	s24 =	simm.s32 $0xFFFFFFF8;
	[sflag:s12] =	ssyncadd.s32 $0xFFFFF000  }
.LBB2_3:
0x3d: {  	v1 =	vld [tilespmem:s25+$0xFFFFFFC0];
	_ =	sdelay $0x4  }
0x3e: {  	(xrf1) =	vunique.msk.u32 $0xffff, v1;
	_ =	sdelay $0xd  }
0x3f: {  	_, v2, vm0 =	vpop (xrf1);
	_ =	sdelay $0x2  }
0x40: {  	s28 =	sadd.s32 $0xFFFFFF90, s26  }
0x41: {  	v2 =	vor.u32 s28, v0  }
0x42: {  	[tilespmem:v1+s19+$0x0] =	vst.idx.msk $0xffff, v2  }
0x43: {  	[tilespmem:v1+s19+$0x0] =	vst.idx.msk vm0, v2  }
0x44: {  	v1 =	vld [tilespmem:s25+$0xFFFFFFD0];
	_ =	sdelay $0x4  }
0x45: {  	(xrf1) =	vunique.msk.u32 $0xffff, v1;
	_ =	sdelay $0xd  }
0x46: {  	_, v2, vm0 =	vpop (xrf1);
	_ =	sdelay $0x2  }
0x47: {  	s29 =	sadd.s32 $0xFFFFFFA0, s26  }
0x48: {  	v2 =	vor.u32 s29, v0  }
0x49: {  	[tilespmem:v1+s19+$0x0] =	vst.idx.msk $0xffff, v2  }
0x4a: {  	[tilespmem:v1+s19+$0x0] =	vst.idx.msk vm0, v2  }
0x4b: {  	v1 =	vld [tilespmem:s25+$0xFFFFFFE0];
	_ =	sdelay $0x4  }
0x4c: {  	(xrf1) =	vunique.msk.u32 $0xffff, v1;
	_ =	sdelay $0xd  }
0x4d: {  	_, v2, vm0 =	vpop (xrf1);
	_ =	sdelay $0x2  }
0x4e: {  	s30 =	sadd.s32 $0xFFFFFFB0, s26  }
0x4f: {  	v2 =	vor.u32 s30, v0  }
0x50: {  	[tilespmem:v1+s19+$0x0] =	vst.idx.msk $0xffff, v2  }
0x51: {  	[tilespmem:v1+s19+$0x0] =	vst.idx.msk vm0, v2  }
0x52: {  	v1 =	vld [tilespmem:s25+$0xFFFFFFF0];
	_ =	sdelay $0x4  }
0x53: {  	(xrf1) =	vunique.msk.u32 $0xffff, v1;
	_ =	sdelay $0xd  }
0x54: {  	_, v2, vm0 =	vpop (xrf1);
	_ =	sdelay $0x2  }
0x55: {  	s31 =	sadd.s32 $0xFFFFFFC0, s26  }
0x56: {  	v2 =	vor.u32 s31, v0  }
0x57: {  	[tilespmem:v1+s19+$0x0] =	vst.idx.msk $0xffff, v2  }
0x58: {  	[tilespmem:v1+s19+$0x0] =	vst.idx.msk vm0, v2  }
0x59: {  	v1 =	vld [tilespmem:s25+$0x0];
	_ =	sdelay $0x4  }
0x5a: {  	(xrf1) =	vunique.msk.u32 $0xffff, v1;
	_ =	sdelay $0xd  }
0x5b: {  	_, v2, vm0 =	vpop (xrf1);
	_ =	sdelay $0x2  }
0x5c: {  	s29 =	sadd.s32 $0xFFFFFFD0, s26  }
0x5d: {  	v2 =	vor.u32 s29, v0  }
0x5e: {  	[tilespmem:v1+s19+$0x0] =	vst.idx.msk $0xffff, v2  }
0x5f: {  	[tilespmem:v1+s19+$0x0] =	vst.idx.msk vm0, v2  }
0x60: {  	v1 =	vld [tilespmem:s25+$0x10];
	_ =	sdelay $0x4  }
0x61: {  	(xrf1) =	vunique.msk.u32 $0xffff, v1;
	_ =	sdelay $0xd  }
0x62: {  	_, v2, vm0 =	vpop (xrf1);
	_ =	sdelay $0x2  }
0x63: {  	s30 =	sadd.s32 $0xFFFFFFE0, s26  }
0x64: {  	v2 =	vor.u32 s30, v0  }
0x65: {  	[tilespmem:v1+s19+$0x0] =	vst.idx.msk $0xffff, v2  }
0x66: {  	[tilespmem:v1+s19+$0x0] =	vst.idx.msk vm0, v2  }
0x67: {  	v1 =	vld [tilespmem:s25+$0x20];
	_ =	sdelay $0x4  }
0x68: {  	(xrf1) =	vunique.msk.u32 $0xffff, v1;
	_ =	sdelay $0xd  }
0x69: {  	_, v2, vm0 =	vpop (xrf1);
	_ =	sdelay $0x2  }
0x6a: {  	s31 =	sadd.s32 $0xFFFFFFF0, s26  }
0x6b: {  	v2 =	vor.u32 s31, v0  }
0x6c: {  	[tilespmem:v1+s19+$0x0] =	vst.idx.msk $0xffff, v2  }
0x6d: {  	[tilespmem:v1+s19+$0x0] =	vst.idx.msk vm0, v2  }
0x6e: {  	v1 =	vld [tilespmem:s25+$0x30];
	_ =	sdelay $0x4  }
0x6f: {  	(xrf1) =	vunique.msk.u32 $0xffff, v1;
	_ =	sdelay $0xd  }
0x70: {  	s24 =	sadd.s32 $0x8, s24;
	_, v2, vm0 =	vpop (xrf1)  }
0x71: {  	p1 =	slt.u32 s24, $0xF8  }
.Ltmp3:
0x72: {  	_ = 	snop;
	(pc) =	sbr.rel @p1 .LBB2_3-.Ltmp3, $4  }
0x73: {  	_ = 	snop  }
0x74: {  	v2 =	vor.u32 s26, v0  }
0x75: {  	[tilespmem:v1+s19+$0x0] =	vst.idx.msk $0xffff, v2  }
0x76: {  	s25 =	sadd.s32 $0x80, s25;
	s26 =	sadd.s32 $0x80, s26;
	[tilespmem:v1+s19+$0x0] =	vst.idx.msk vm0, v2  }
0x77: {  	s23 =	sadd.s32 $0x1, s23  }
0x78: {  	p1 =	sne.s32 s23, $0x4  }
.Ltmp4:
0x79: {  	_ = 	snop;
	(pc) =	sbr.rel @p1 .LBB2_2-.Ltmp4, $2  }
0x7a: {  	_ =	sdelay $0x2  }
0x7b: {  	s22 =	sadd.s32 $0x1000, s22  }
0x7c: {  	s22 =	simm.s32 $0x0  }
.LBB2_6:
0x7d: {  	s23 =	sshll.u32 s22, $0x9  }
0x7e: {  	s24 =	sadd.s32 s3, s23  }
0x7f: {  	[tilespmem:s18], [sflag:$0x2] =	stream.linear.gather [hbm4b:s24+s4], $0x1000, $0x38;
	[tilespmem:$0x1E900] =	vst v63  }
0x80: {  	_ =	swait.ge [sflag:s12], $0x1000  }
0x81: {  	s25 =	simm.s32 $0x4240;
	[sflag:s12] =	ssyncset.done $0x0  }
0x82: {  	s26 =	simm.s32 $0x5240;
	s24 =	simm.s32 $0xFFFFFFF8;
	[sflag:s12] =	ssyncadd.s32 $0xFFFFF000  }
.LBB2_7:
0x83: {  	v1 =	vld [tilespmem:s25+$0xFFFFFFC0];
	_ =	sdelay $0x7  }
0x84: {  	v1 =	vld.idx.msk [tilespmem:v1+s19+$0x0], $0xffff;
	_ =	sdelay $0x4  }
0x85: {  	[tilespmem:s26+$0xFFFFFFC0] =	vst v1  }
0x86: {  	v1 =	vld [tilespmem:s25+$0xFFFFFFD0];
	_ =	sdelay $0x7  }
0x87: {  	v1 =	vld.idx.msk [tilespmem:v1+s19+$0x0], $0xffff;
	_ =	sdelay $0x4  }
0x88: {  	[tilespmem:s26+$0xFFFFFFD0] =	vst v1  }
0x89: {  	v1 =	vld [tilespmem:s25+$0xFFFFFFE0];
	_ =	sdelay $0x7  }
0x8a: {  	v1 =	vld.idx.msk [tilespmem:v1+s19+$0x0], $0xffff;
	_ =	sdelay $0x4  }
0x8b: {  	[tilespmem:s26+$0xFFFFFFE0] =	vst v1  }
0x8c: {  	v1 =	vld [tilespmem:s25+$0xFFFFFFF0];
	_ =	sdelay $0x7  }
0x8d: {  	v1 =	vld.idx.msk [tilespmem:v1+s19+$0x0], $0xffff;
	_ =	sdelay $0x4  }
0x8e: {  	[tilespmem:s26+$0xFFFFFFF0] =	vst v1  }
0x8f: {  	v1 =	vld [tilespmem:s25+$0x0];
	_ =	sdelay $0x7  }
0x90: {  	v1 =	vld.idx.msk [tilespmem:v1+s19+$0x0], $0xffff;
	_ =	sdelay $0x4  }
0x91: {  	[tilespmem:s26+$0x0] =	vst v1  }
0x92: {  	v1 =	vld [tilespmem:s25+$0x10];
	_ =	sdelay $0x7  }
0x93: {  	v1 =	vld.idx.msk [tilespmem:v1+s19+$0x0], $0xffff;
	_ =	sdelay $0x4  }
0x94: {  	[tilespmem:s26+$0x10] =	vst v1  }
0x95: {  	v1 =	vld [tilespmem:s25+$0x20];
	_ =	sdelay $0x7  }
0x96: {  	v1 =	vld.idx.msk [tilespmem:v1+s19+$0x0], $0xffff;
	_ =	sdelay $0x4  }
0x97: {  	[tilespmem:s26+$0x20] =	vst v1  }
0x98: {  	v1 =	vld [tilespmem:s25+$0x30];
	_ =	sdelay $0x6  }
0x99: {  	s24 =	sadd.s32 $0x8, s24  }
0x9a: {  	p1 =	slt.u32 s24, $0xF8;
	v1 =	vld.idx.msk [tilespmem:v1+s19+$0x0], $0xffff  }
.Ltmp5:
0x9b: {  	_ = 	snop;
	(pc) =	sbr.rel @p1 .LBB2_7-.Ltmp5, $2  }
0x9c: {  	_ =	sdelay $0x2  }
0x9d: {  	s25 =	sadd.s32 $0x80, s25;
	[tilespmem:s26+$0x30] =	vst v1;
	s26 =	sadd.s32 $0x80, s26  }
0x9e: {  	s23 =	sadd.s32 s5, s23;
	s22 =	sadd.s32 $0x1, s22  }
0x9f: {  	[hbm4b:s23+s4] =	stream.linear.scatter [tilespmem:s20], [sflag:$0x2], $0x1000, $0x38;
	[tilespmem:$0x1E900] =	vst v63  }
0xa0: {  	p1 =	sne.s32 s22, $0x4  }
.Ltmp6:
0xa1: {  	_ = 	snop;
	(pc) =	sbr.rel @p1 .LBB2_6-.Ltmp6, $4  }
.Ltmp7:
0xa2: {  	_ = 	snop;
	(pc) =	sbr.rel @!p1 .LBB2_9-.Ltmp7, $4  }
0xa3: {  	_ =	swait.ge [sflag:s12], $0x1000  }
0xa4: {  	[sflag:s12] =	ssyncset.done $0x0  }
0xa5: {  	[sflag:s12] =	ssyncadd.s32 $0xFFFFF000  }
0xa6: {  	_ = 	snop  }
.LBB2_10:
0xa7: {  	_ =	sfence.sel $0x180000  }
0xa8: {  	[bflag:$0x0] =	sbarrier.arrive $0xFFFF  }
0xa9: {  	p0 =	sne.s32 s0, $0x0;
	_ =	strace $0x90000047  }
0xaa: {  	s0 =	sadd.s32 @!p0 $0x100000, s2;
	[bflag:$0x2] =	sbarrier.arrive $0xFFFF  }
0xab: {  	[sflag:s0] =	ssyncadd.tile.s32 @!p0 $0x1;
	_ =	shalt  }
.Lfunc_end2:
_tile_overlayer_lowered:
.L_overlay_start_2:
0xac: {  	(tag) =	ssettag $0x2  }
0xad: {  	s0 =	rddreg [dreg:$0x0];
	s2 =	stileid.u32  }
0xae: {  	s1 =	rddreg [dreg:$0x1];
	p0 =	sne.s32 s2, $0x0  }
0xaf: {  	s3 =	rddreg [dreg:$0x2];
	[bflag:$0x3] =	sbarrier.arrive $0xFFFF;
	s2 =	simm.s32 @!p0 $0x1C02  }
0xb0: {  	[timem:s3], [sflag:s2] =	dma.local @!p0 [hbm:s0], s1  }
0xb1: {  	s0 =	simm.s32 @!p0 $0x2  }
0xb2: {  	_ =	swait.ge @!p0 [sflag:s0], s1  }
0xb3: {  	s1 =	ssub.s32 @!p0 $0x0, s1;
	[sflag:s0] =	ssyncset.done @!p0 $0x0  }
0xb4: {  	[sflag:s0] =	ssyncadd.s32 @!p0 s1  }
0xb5: {  	[bflag:$0x3] =	sbarrier.arrive $0xFFFF  }
0xb6: {  	_ =	shalt  }

// kernel: kernel.8.cloned.1.call-start
scs
__scs_entry_jumppad:
0x0: {  	(pc) =	sbr.rel $0x88, $3  }
0x1: {  	(tag) =	ssettag $0x0;
	lr =	simm.s32 $0x1  }
0x2: {  	[smem:$0x3F9A] =	sst lr;
	_ =	strace $0xD0000000  }
0x3: {  	_ = 	snop  }
0x4: {  	_ = 	snop  }
0x5: {  	_ = 	snop  }
0x6: {  	_ = 	snop  }
0x7: {  	_ = 	snop  }
__scs_overlays_trampoline_lowered:
0x8: {  	[smem:$0x3FA9] =	sst s0  }
0x9: {  	[smem:$0x3FAA] =	sst s1  }
0xa: {  	[smem:$0x3FAB] =	sst s2  }
0xb: {  	[smem:$0x3FAC] =	sst s3  }
0xc: {  	[smem:$0x3FAD] =	sst s4  }
0xd: {  	[smem:$0x3FAE] =	sst s5  }
0xe: {  	[smem:$0x3FAF] =	sst s6  }
0xf: {  	[smem:$0x3FB0] =	sst s7  }
0x10: {  	[smem:$0x3FB1] =	sst s8  }
0x11: {  	[smem:$0x3FB2] =	sst s9;
	s0 =	simm.s32 @!p0 $0x0  }
0x12: {  	s1 =	sld [smem:$0x3F98];
	s0 =	simm.s32 @p0 $0x1  }
0x13: {  	[smem:$0x3FB3] =	sst s0;
	s0 =	simm.s32 @!p1 $0x0  }
0x14: {  	s2 =	sld [smem:$0x3F97];
	s0 =	simm.s32 @p1 $0x1  }
0x15: {  	[smem:$0x3FB4] =	sst s0;
	s0 =	simm.s32 @!p2 $0x0  }
0x16: {  	s3 =	sld [smem:$0x3FDB];
	s0 =	simm.s32 @p2 $0x1  }
0x17: {  	s4 =	simm.s32 $0x1BF5;
	[smem:$0x3FB6] =	sst s0  }
0x18: {  	s0 =	sld [smem:$0x3F99];
	_ =	swait.ge [sflag:s4], $0x0  }
0x19: {  	s7 =	sld [smem:$0x3F9A]  }
0x1a: {  	s8 =	sadd.s32 $0xFFFFE003, lr  }
0x1b: {  	s9 =	sadd.s32 $0xFFFFFEF7, lr;
	s5 =	simm.s32 $0xFFFFFFFF;
	p2 =	slt.u32 s8, $0xFFFFF086  }
0x1c: {  	p1 =	slt.u32 s9, $0xF7A;
	s5 =	simm.s32 @!p2 $0x0  }
0x1d: {  	s5 =	simm.s32 @p1 $0x1;
	p0 =	seq.s32 s7, s2  }
0x1e: {  	s7 =	smul.u32 @!p0 $0xF7A, s2;
	p2 =	seq.s32 @!p0 s5, $0x0  }
0x1f: {  	s9 =	smul.u32 $0xF7A, s1;
	s8 =	simm.s32 @!p0 $0x1BF5;
	p2 =	por !p2, p0  }
0x20: {  	[sflag:s8] =	ssyncset.s32 @!p0 $0xFFFFF086;
	s6 =	sadd.s32 @!p0 s3, s7;
	s7 =	simm.s32 @!p0 $0x108  }
0x21: {  	s3 =	sadd.s32 s3, s9;
	s6 =	sadd.s32 @!p0 $0x88, s6;
	s7 =	simm.s32 @p2 $0x1082  }
0x22: {  	[simem:s7], [sflag:s8] =	dma.local @!p0 [hbm:s6], $0xF7A  }
0x23: {  	s9 =	sor.u32 $0xD0000000, s2;
	s6 =	simm.s32 $0x108;
	_ =	swait.ge @!p0 [sflag:s8], $0x0  }
0x24: {  	s3 =	sadd.s32 $0x88, s3;
	s6 =	simm.s32 @!p1 $0x1082;
	[sflag:s4] =	ssyncset.s32 $0xFFFFF086  }
0x25: {  	[simem:s6], [sflag:s4] =	dma.local [hbm:s3], $0xF7A  }
0x26: {  	[smem:$0x3F9A] =	sst s1;
	(tag) =	ssettag s2;
	_ =	strace s9  }
0x27: {  	s1 =	sld [smem:$0x3FAA]  }
0x28: {  	s2 =	sld [smem:$0x3FAB]  }
0x29: {  	s4 =	sld [smem:$0x3FAD]  }
0x2a: {  	p0 =	seq.s32 s5, $0x0;
	s5 =	sld [smem:$0x3FAE]  }
0x2b: {  	s6 =	sld [smem:$0x3FAF]  }
0x2c: {  	s7 =	sld [smem:$0x3FB0]  }
0x2d: {  	s3 =	simm.s32 $0x108;
	s8 =	sld [smem:$0x3FB1]  }
0x2e: {  	s3 =	simm.s32 @!p0 $0x1082;
	s9 =	sld [smem:$0x3FB2]  }
0x2f: {  	lr =	sadd.s32 s0, s3;
	s0 =	sld [smem:$0x3FA9]  }
0x30: {  	s3 =	sld [smem:$0x3FAC]  }
0x31: {  	[smem:$0x3FB5] =	sst s10  }
0x32: {  	s10 =	sld [smem:$0x3FB3];
	_ =	sdelay $0x3  }
0x33: {  	p0 =	seq.s32 s10, $0x1;
	s10 =	sld [smem:$0x3FB5];
	_ =	sdelay $0x3  }
0x34: {  	[smem:$0x3FB5] =	sst s10  }
0x35: {  	s10 =	sld [smem:$0x3FB4];
	_ =	sdelay $0x3  }
0x36: {  	p1 =	seq.s32 s10, $0x1;
	s10 =	sld [smem:$0x3FB5];
	_ =	sdelay $0x3  }
0x37: {  	[smem:$0x3FB5] =	sst s10  }
0x38: {  	s10 =	sld [smem:$0x3FB6]  }
0x39: {  	_ = 	snop;
	(pc) =	sbr.ind lr, $3  }
0x3a: {  	_ = 	snop  }
0x3b: {  	_ = 	snop  }
0x3c: {  	p2 =	seq.s32 s10, $0x1;
	s10 =	sld [smem:$0x3FB5]  }
0x3d: {  	_ =	shalt  }
0x3e: {  	_ =	shalt  }
0x3f: {  	_ =	shalt  }
0x40: {  	_ =	shalt  }
0x41: {  	_ =	shalt  }
0x42: {  	_ =	shalt  }
0x43: {  	_ =	shalt  }
0x44: {  	_ =	shalt  }
0x45: {  	_ =	shalt  }
0x46: {  	_ =	shalt  }
0x47: {  	_ =	shalt  }
0x48: {  	_ =	shalt  }
0x49: {  	_ =	shalt  }
0x4a: {  	_ =	shalt  }
0x4b: {  	_ =	shalt  }
0x4c: {  	_ =	shalt  }
0x4d: {  	_ =	shalt  }
0x4e: {  	_ =	shalt  }
0x4f: {  	_ =	shalt  }
0x50: {  	_ =	shalt  }
0x51: {  	_ =	shalt  }
0x52: {  	_ =	shalt  }
0x53: {  	_ =	shalt  }
0x54: {  	_ =	shalt  }
0x55: {  	_ =	shalt  }
0x56: {  	_ =	shalt  }
0x57: {  	_ =	shalt  }
0x58: {  	_ =	shalt  }
0x59: {  	_ =	shalt  }
0x5a: {  	_ =	shalt  }
0x5b: {  	_ =	shalt  }
0x5c: {  	_ =	shalt  }
0x5d: {  	_ =	shalt  }
0x5e: {  	_ =	shalt  }
0x5f: {  	_ =	shalt  }
0x60: {  	_ =	shalt  }
0x61: {  	_ =	shalt  }
0x62: {  	_ =	shalt  }
0x63: {  	_ =	shalt  }
0x64: {  	_ =	shalt  }
0x65: {  	_ =	shalt  }
0x66: {  	_ =	shalt  }
0x67: {  	_ =	shalt  }
0x68: {  	_ =	shalt  }
0x69: {  	_ =	shalt  }
0x6a: {  	_ =	shalt  }
0x6b: {  	_ =	shalt  }
0x6c: {  	_ =	shalt  }
0x6d: {  	_ =	shalt  }
0x6e: {  	_ =	shalt  }
0x6f: {  	_ =	shalt  }
0x70: {  	_ =	shalt  }
0x71: {  	_ =	shalt  }
0x72: {  	_ =	shalt  }
0x73: {  	_ =	shalt  }
0x74: {  	_ =	shalt  }
0x75: {  	_ =	shalt  }
0x76: {  	_ =	shalt  }
0x77: {  	_ =	shalt  }
0x78: {  	_ =	shalt  }
0x79: {  	_ =	shalt  }
0x7a: {  	_ =	shalt  }
0x7b: {  	_ =	shalt  }
0x7c: {  	_ =	shalt  }
0x7d: {  	_ =	shalt  }
0x7e: {  	_ =	shalt  }
0x7f: {  	_ =	shalt  }
0x80: {  	_ =	shalt  }
0x81: {  	_ =	shalt  }
0x82: {  	_ =	shalt  }
0x83: {  	_ =	shalt  }
0x84: {  	_ =	shalt  }
0x85: {  	_ =	shalt  }
0x86: {  	_ =	shalt  }
0x87: {  	_ =	shalt  }
.Lfunc_end0:
.L_simem_size_0:
called_computation.1_lowered:
.L_overlay_start_0:
0x88: {  	s2 =	sld [smem:$0x3FD9]  }
0x89: {  	s3 =	sld [smem:$0x3FFE];
	_ =	sdelay $0x1  }
0x8a: {  	s1 =	srdreg.scid  }
0x8b: {  	s0 =	sand.u32 $0x1, s1  }
0x8c: {  	s17 =	sshll.u32 s0, $0xA;
	s2 =	sadd.s32 s3, s2  }
0x8d: {  	s2 =	sadd.s32 s2, s17  }
0x8e: {  	[smem:$0x3FC1] =	sst s2  }
0x8f: {  	_ = 	snop  }
0x90: {  	s2 =	sld [smem:$0x3FC8]  }
0x91: {  	s18 =	sld [smem:$0x3FD0];
	(tm) =	ssettm $0x1  }
0x92: {  	s4 =	sld [smem:$0x3FFB];
	_ =	sdelay $0x3  }
0x93: {  	_ =	strace s4  }
0x94: {  	s4 =	sld [smem:$0x3FFC];
	_ =	sdelay $0x3  }
0x95: {  	_ =	strace s4  }
0x96: {  	s4 =	sld [smem:$0x3FFD];
	_ =	sdelay $0x3  }
0x97: {  	_ =	strace s4  }
0x98: {  	_ =	strace $0x8FFFFFFF  }
0x99: {  	s19 =	sld [smem:$0x3FDB];
	_ =	sdelay $0x1  }
0x9a: {  	s5 =	simm.s32 $_scs_section_size  }
0x9b: {  	s6 =	simm.s32 $_size__tile_overlayer_lowered;
	s7 =	simm.s32 $_tile_overlayer_lowered  }
0x9c: {  	s22 =	simm.s32 $0x1BFF;
	s21 =	sshll.u32 s7, $0x1;
	s4 =	sadd.s32 s5, s19  }
0x9d: {  	s8 =	simm.s32 $0x0;
	s20 =	sshll.u32 s6, $0x1;
	s6 =	sadd.s32 s21, s4  }
0x9e: {  	[timem:s8], [sflag:s22] =	dma.local [hbm:s6], s20  }
0x9f: {  	_ =	swait.ge [sflag:s22], s20  }
0xa0: {  	s5 =	ssub.s32 $0x0, s20;
	[sflag:s22] =	ssyncset.done $0x0  }
0xa1: {  	[sflag:s22] =	ssyncadd.s32 s5;
	_ =	sdelay $0x1  }
0xa2: {  	s23 =	simm.s32 $0x1B8B  }
0xa3: {  	_ =	swait.ge [sflag:s23], $0x1  }
0xa4: {  	[sflag:s23] =	ssyncset.done $0x0  }
0xa5: {  	s25 =	simm.s32 $0x1B8E;
	s24 =	sld [smem:$0x3FFE];
	[sflag:s23] =	ssyncadd.s32 $0xFFFFFFFF  }
0xa6: {  	s26 =	simm.s32 $execute0_lowered;
	[smem:$0x3FD2] =	sst s25  }
0xa7: {  	s6 =	sshll.u32 s26, $0x1;
	_ =	strace $0x80000049;
	[dreg:$0x1] =	wrdreg $0xFFFFFFFF  }
0xa8: {  	s28 =	simm.s32 $_size_execute0_lowered;
	s4 =	sadd.s32 s4, s6;
	[dreg:$0x0] =	wrdreg $0x0  }
0xa9: {  	s6 =	sshll.u32 s28, $0x1;
	[dreg:$0x2] =	wrdreg s4  }
0xaa: {  	[dreg:$0x3] =	wrdreg s6  }
0xab: {  	[dreg:$0x4] =	wrdreg $0xC0  }
0xac: {  	_ =	task [dreg:s8], $0x5FFFF  }
0xad: {  	[dreg:$0x1] =	wrdreg $0xFFFFFFFF  }
0xae: {  	[dreg:$0x0] =	wrdreg $0x60  }
0xaf: {  	[dreg:$0x2] =	wrdreg s24  }
0xb0: {  	[dreg:$0x3] =	wrdreg s2  }
0xb1: {  	[dreg:$0x4] =	wrdreg s18  }
0xb2: {  	[dreg:$0x5] =	wrdreg $0x9  }
0xb3: {  	_ =	task.clear_ibuf [dreg:s8], $0x6FFFF;
	_ =	strace $0x90000049  }
0xb4: {  	s29 =	simm.s32 $0x9;
	_ =	strace $0x8000004B  }
0xb5: {  	_ =	swait.ge [sflag:s29], $0x1  }
0xb6: {  	[sflag:s29] =	ssyncadd.s32 $0xFFFFFFFF  }
0xb7: {  	_ =	strace $0x9000004B  }
0xb8: {  	_ =	sfence  }
0xb9: {  	s30 =	sld [smem:$0x0];
	_ =	sdelay $0x2  }
0xba: {  	s31 =	sshll.u32 s1, $0xD;
	s1 =	sshrl.u32 s1, $0x2  }
0xbb: {  	s3 =	sand.u32 $0x4000, s31;
	s1 =	sadd.s32 s1, s30  }
0xbc: {  	s0 =	sor.u32 s3, s0;
	s1 =	sshll.u32 s1, $0x11  }
0xbd: {  	s0 =	sor.u32 s1, s0  }
0xbe: {  	s0 =	sadd.s32 $0x8F2B, s0  }
0xbf: {  	[sflag:s0] =	ssyncadd.remote.s32 $0x1  }
0xc0: {  	_ =	sfence.sel $0xFFFF  }
0xc1: {  	[dreg:$0x0] =	wrdreg $0xFFFFFFFF;
	(pc) =	sbr.abs _section_cstart, $3  }
0xc2: {  	[dreg:$0x1] =	wrdreg $0xFFFFFFFF  }
0xc3: {  	_ =	task.clear_ibuf [dreg:s8], $0x2FFFF;
	_ =	strace $0x9FFFFFFF  }
0xc4: {  	(tm) =	ssettm $0x7FFFFFFF  }
0xc5: {  	_ =	shalt  }
tec
execute0_lowered:
.L_overlay_start_1:
0x0: {  	(tag) =	ssettag $0x1  }
0x1: {  	s8 =	rddreg [dreg:$0x0]  }
0x2: {  	s4 =	rddreg [dreg:$0x1]  }
0x3: {  	s2 =	rddreg [dreg:$0x2];
	s3 =	srdreg.scid  }
0x4: {  	s0 =	rddreg [dreg:$0x3];
	s1 =	stileid.u32;
	s15 =	sand.u32 $0x1, s3  }
0x5: {  	s3 =	simm.s32 $0x0;
	s5 =	sshll.u32 s1, $0x7;
	s6 =	sshll.u32 s15, $0x6  }
0x6: {  	[smem:$0x7FF] =	sst s3;
	s6 =	sor.u32 s6, s5  }
0x7: {  	_ =	strace $0x8000004A;
	s5 =	sadd.s32 s4, s6;
	s4 =	simm.s32 $0x2  }
0x8: {  	[tilespmem:s3], [sflag:$0x2] =	stream.linear.gather [hbm4b:s5+s3], $0x200, $0x38;
	[tilespmem:$0x4400] =	vst v63  }
0x9: {  	_ =	swait.ge [sflag:s4], $0x200  }
0xa: {  	s6 =	sadd.s32 s6, s8;
	[sflag:s4] =	ssyncset.done $0x0  }
0xb: {  	s7 =	simm.s32 $0x200;
	s6 =	sadd.s32 $0x41E00, s6;
	[sflag:s4] =	ssyncadd.s32 $0xFFFFFE00  }
0xc: {  	[tilespmem:s7], [sflag:$0x2] =	stream.linear.gather [hbm4b:s6+s3], $0x200, $0x38;
	[tilespmem:$0x4400] =	vst v63  }
0xd: {  	_ =	swait.ge [sflag:s4], $0x200  }
0xe: {  	s9 =	simm.s32 $0x80;
	s10 =	simm.s32 $0x400;
	[sflag:s4] =	ssyncset.done $0x0  }
0xf: {  	s11 =	simm.s32 $0x1;
	s8 =	sadd.s32 $0x1E00, s8;
	[sflag:s4] =	ssyncadd.s32 $0xFFFFFE00  }
0x10: {  	[tilespmem:s10], [sflag:$0x1] =	stream.indirect.gather [hbm4b:s8+s9], $0x80, s7, s9, $0xb8;
	[tilespmem:$0x4400] =	vst v63  }
0x11: {  	_ =	swait.ge [sflag:s11], $0x4000  }
0x12: {  	[sflag:s11] =	ssyncset.done $0x0  }
0x13: {  	[sflag:s11] =	ssyncadd.s32 $0xFFFFC000  }
0x14: {  	[hbm4b:s2+s9] =	stream.indirect.scatter [tilespmem:s10], [sflag:$0x2], $0x80, s3, s9, $0xb8;
	[tilespmem:$0x4400] =	vst v63  }
0x15: {  	_ =	swait.ge [sflag:s4], $0x4000  }
0x16: {  	[sflag:s4] =	ssyncset.done $0x0  }
0x17: {  	s12 =	simm.s32 $0x280;
	[sflag:s4] =	ssyncadd.s32 $0xFFFFC000  }
0x18: {  	[tilespmem:s10], [sflag:$0x1] =	stream.indirect.gather [hbm4b:s8+s9], $0x80, s12, s9, $0xb8;
	[tilespmem:$0x4400] =	vst v63  }
0x19: {  	_ =	swait.ge [sflag:s11], $0x4000  }
0x1a: {  	[sflag:s11] =	ssyncset.done $0x0  }
0x1b: {  	[sflag:s11] =	ssyncadd.s32 $0xFFFFC000  }
0x1c: {  	[hbm4b:s2+s9] =	stream.indirect.scatter [tilespmem:s10], [sflag:$0x2], $0x80, s9, s9, $0xb8;
	[tilespmem:$0x4400] =	vst v63  }
0x1d: {  	_ =	swait.ge [sflag:s4], $0x4000  }
0x1e: {  	[sflag:s4] =	ssyncset.done $0x0  }
0x1f: {  	s13 =	simm.s32 $0x300;
	[sflag:s4] =	ssyncadd.s32 $0xFFFFC000  }
0x20: {  	[tilespmem:s10], [sflag:$0x1] =	stream.indirect.gather [hbm4b:s8+s9], $0x80, s13, s9, $0xb8;
	[tilespmem:$0x4400] =	vst v63  }
0x21: {  	_ =	swait.ge [sflag:s11], $0x4000  }
0x22: {  	[sflag:s11] =	ssyncset.done $0x0  }
0x23: {  	s14 =	simm.s32 $0x100;
	s16 =	ssub.s32 $0x2, s15;
	[sflag:s11] =	ssyncadd.s32 $0xFFFFC000  }
0x24: {  	[hbm4b:s2+s9] =	stream.indirect.scatter [tilespmem:s10], [sflag:$0x2], $0x80, s14, s9, $0xb8;
	[tilespmem:$0x4400] =	vst v63  }
0x25: {  	s17 =	sshrl.u32 s16, $0x1;
	_ =	swait.ge [sflag:s4], $0x4000  }
0x26: {  	s16 =	ssub.s32 s16, s17;
	[sflag:s4] =	ssyncset.done $0x0  }
0x27: {  	s15 =	simm.s32 $0x380;
	s17 =	smax.u32 s16, $0x1;
	[sflag:s4] =	ssyncadd.s32 $0xFFFFC000  }
0x28: {  	[tilespmem:s10], [sflag:$0x1] =	stream.indirect.gather [hbm4b:s8+s9], $0x80, s15, s9, $0xb8;
	[tilespmem:$0x4400] =	vst v63  }
0x29: {  	p0 =	sne.s32 s17, $0x1;
	_ =	swait.ge [sflag:s11], $0x4000  }
.Ltmp0:
0x2a: {  	[sflag:s11] =	ssyncset.done $0x0;
	(pc) =	sbr.rel @!p0 .LBB2_2-.Ltmp0, $4  }
0x2b: {  	s16 =	simm.s32 $0x180;
	[sflag:s11] =	ssyncadd.s32 $0xFFFFC000  }
0x2c: {  	[hbm4b:s2+s9] =	stream.indirect.scatter [tilespmem:s10], [sflag:$0x2], $0x80, s16, s9, $0xb8;
	[tilespmem:$0x4400] =	vst v63  }
0x2d: {  	_ =	swait.ge [sflag:s4], $0x4000  }
0x2e: {  	s17 =	sadd.s32 $0xFFFFFFFF, s17;
	[sflag:s4] =	ssyncset.done $0x0  }
.LBB2_1:
0x2f: {  	p0 =	sne.s32 s17, $0x1;
	s17 =	sadd.s32 $0xFFFFFFFF, s17;
	[sflag:s4] =	ssyncadd.s32 $0xFFFFC000  }
0x30: {  	[tilespmem:s3], [sflag:$0x2] =	stream.linear.gather [hbm4b:s5+s3], $0x200, $0x38;
	[tilespmem:$0x4400] =	vst v63  }
0x31: {  	_ =	swait.ge [sflag:s4], $0x200  }
0x32: {  	[sflag:s4] =	ssyncset.done $0x0  }
0x33: {  	[sflag:s4] =	ssyncadd.s32 $0xFFFFFE00  }
0x34: {  	[tilespmem:s7], [sflag:$0x2] =	stream.linear.gather [hbm4b:s6+s3], $0x200, $0x38;
	[tilespmem:$0x4400] =	vst v63  }
0x35: {  	_ =	swait.ge [sflag:s4], $0x200  }
0x36: {  	[sflag:s4] =	ssyncset.done $0x0  }
0x37: {  	[sflag:s4] =	ssyncadd.s32 $0xFFFFFE00  }
0x38: {  	[tilespmem:s10], [sflag:$0x1] =	stream.indirect.gather [hbm4b:s8+s9], $0x80, s7, s9, $0xb8;
	[tilespmem:$0x4400] =	vst v63  }
0x39: {  	_ =	swait.ge [sflag:s11], $0x4000  }
0x3a: {  	[sflag:s11] =	ssyncset.done $0x0  }
0x3b: {  	[sflag:s11] =	ssyncadd.s32 $0xFFFFC000  }
0x3c: {  	[hbm4b:s2+s9] =	stream.indirect.scatter [tilespmem:s10], [sflag:$0x2], $0x80, s3, s9, $0xb8;
	[tilespmem:$0x4400] =	vst v63  }
0x3d: {  	_ =	swait.ge [sflag:s4], $0x4000  }
0x3e: {  	[sflag:s4] =	ssyncset.done $0x0  }
0x3f: {  	[sflag:s4] =	ssyncadd.s32 $0xFFFFC000  }
0x40: {  	[tilespmem:s10], [sflag:$0x1] =	stream.indirect.gather [hbm4b:s8+s9], $0x80, s12, s9, $0xb8;
	[tilespmem:$0x4400] =	vst v63  }
0x41: {  	_ =	swait.ge [sflag:s11], $0x4000  }
0x42: {  	[sflag:s11] =	ssyncset.done $0x0  }
0x43: {  	[sflag:s11] =	ssyncadd.s32 $0xFFFFC000  }
0x44: {  	[hbm4b:s2+s9] =	stream.indirect.scatter [tilespmem:s10], [sflag:$0x2], $0x80, s9, s9, $0xb8;
	[tilespmem:$0x4400] =	vst v63  }
0x45: {  	_ =	swait.ge [sflag:s4], $0x4000  }
0x46: {  	[sflag:s4] =	ssyncset.done $0x0  }
0x47: {  	[sflag:s4] =	ssyncadd.s32 $0xFFFFC000  }
0x48: {  	[tilespmem:s10], [sflag:$0x1] =	stream.indirect.gather [hbm4b:s8+s9], $0x80, s13, s9, $0xb8;
	[tilespmem:$0x4400] =	vst v63  }
0x49: {  	_ =	swait.ge [sflag:s11], $0x4000  }
0x4a: {  	[sflag:s11] =	ssyncset.done $0x0  }
0x4b: {  	[sflag:s11] =	ssyncadd.s32 $0xFFFFC000  }
0x4c: {  	[hbm4b:s2+s9] =	stream.indirect.scatter [tilespmem:s10], [sflag:$0x2], $0x80, s14, s9, $0xb8;
	[tilespmem:$0x4400] =	vst v63  }
0x4d: {  	_ =	swait.ge [sflag:s4], $0x4000  }
0x4e: {  	[sflag:s4] =	ssyncset.done $0x0  }
0x4f: {  	[sflag:s4] =	ssyncadd.s32 $0xFFFFC000  }
0x50: {  	[tilespmem:s10], [sflag:$0x1] =	stream.indirect.gather [hbm4b:s8+s9], $0x80, s15, s9, $0xb8;
	[tilespmem:$0x4400] =	vst v63  }
0x51: {  	_ =	swait.ge [sflag:s11], $0x4000  }
.Ltmp1:
0x52: {  	[sflag:s11] =	ssyncset.done $0x0;
	(pc) =	sbr.rel @p0 .LBB2_1-.Ltmp1, $4  }
0x53: {  	[sflag:s11] =	ssyncadd.s32 $0xFFFFC000  }
0x54: {  	[hbm4b:s2+s9] =	stream.indirect.scatter [tilespmem:s10], [sflag:$0x2], $0x80, s16, s9, $0xb8;
	[tilespmem:$0x4400] =	vst v63  }
0x55: {  	_ =	swait.ge [sflag:s4], $0x4000  }
0x56: {  	[sflag:s4] =	ssyncset.done $0x0  }
.LBB2_2:
0x57: {  	[sflag:s4] =	ssyncadd.s32 $0xFFFFC000  }
0x58: {  	_ =	sfence.sel $0x180000  }
0x59: {  	[bflag:$0x0] =	sbarrier.arrive $0xFFFF  }
0x5a: {  	p0 =	sne.s32 s1, $0x0;
	_ =	strace $0x9000004A  }
0x5b: {  	s0 =	sadd.s32 @!p0 $0x100000, s0;
	[bflag:$0x2] =	sbarrier.arrive $0xFFFF  }
0x5c: {  	[sflag:s0] =	ssyncadd.tile.s32 @!p0 $0x1;
	_ =	shalt  }
.Lfunc_end2:
_tile_overlayer_lowered:
.L_overlay_start_2:
0x5d: {  	(tag) =	ssettag $0x2  }
0x5e: {  	s0 =	rddreg [dreg:$0x0];
	s2 =	stileid.u32  }
0x5f: {  	s1 =	rddreg [dreg:$0x1];
	p0 =	sne.s32 s2, $0x0  }
0x60: {  	s3 =	rddreg [dreg:$0x2];
	[bflag:$0x3] =	sbarrier.arrive $0xFFFF;
	s2 =	simm.s32 @!p0 $0x1C02  }
0x61: {  	[timem:s3], [sflag:s2] =	dma.local @!p0 [hbm:s0], s1  }
0x62: {  	s0 =	simm.s32 @!p0 $0x2  }
0x63: {  	_ =	swait.ge @!p0 [sflag:s0], s1  }
0x64: {  	s1 =	ssub.s32 @!p0 $0x0, s1;
	[sflag:s0] =	ssyncset.done @!p0 $0x0  }
0x65: {  	[sflag:s0] =	ssyncadd.s32 @!p0 s1  }
0x66: {  	[bflag:$0x3] =	sbarrier.arrive $0xFFFF  }
0x67: {  	_ =	shalt  }

</sc_bundles>
